<compile_context>
chip_gen: v7x
topology: tpu7x:2x2x1
jax: 0.10.2.dev20260603
libtpu: 0.0.44.dev20260713+nightly
codegen_flags: <defaults>
</compile_context>

<pallas_src>
import functools
import math

import jax
import jax.numpy as jnp
from jax import lax
from jax.experimental import pallas as pl
from jax.experimental.pallas import tpu as pltpu
from jax.experimental.pallas import tpu_sc as plsc

VOCAB = 1000000
EMB = 64
SCALE = math.sqrt(EMB)

NC = 2
NS = 16
NW = NC * NS

BATCH = 4096
TSTEP = 200
BPW = BATCH // NW
G1 = 128
G2 = TSTEP - G1
LANES = 16
VPR = EMB // LANES
RING = 3


def _emb_kernel_body(table_hbm, tok_hbm, out_hbm, idx_v,
                     gbuf0, gbuf1, gbuf2, obuf0, obuf1, obuf2, gsem, osem):
    gbuf = [gbuf0, gbuf1, gbuf2]
    obuf = [obuf0, obuf1, obuf2]

    c = lax.axis_index("c")
    s = lax.axis_index("s")
    wid = s * NC + c
    b0 = wid * BPW

    pltpu.sync_copy(tok_hbm.at[pl.ds(b0, BPW)], idx_v)

    def fire_gather(b, r):
        pltpu.async_copy(table_hbm.at[idx_v.at[b, pl.ds(0, G1)]],
                         gbuf[r].at[pl.ds(0, G1)], gsem.at[r])
        pltpu.async_copy(table_hbm.at[idx_v.at[b, pl.ds(G1, G2)]],
                         gbuf[r].at[pl.ds(G1, G2)], gsem.at[r])

    def wait_gather(b, r):
        pltpu.make_async_copy(table_hbm.at[idx_v.at[b, pl.ds(0, G1)]],
                              gbuf[r].at[pl.ds(0, G1)], gsem.at[r]).wait()
        pltpu.make_async_copy(table_hbm.at[idx_v.at[b, pl.ds(G1, G2)]],
                              gbuf[r].at[pl.ds(G1, G2)], gsem.at[r]).wait()

    def fire_store(b, r):
        pltpu.async_copy(obuf[r], out_hbm.at[b0 + b], osem.at[r])

    def wait_store(b, r):
        pltpu.make_async_copy(obuf[r], out_hbm.at[b0 + b], osem.at[r]).wait()

    for r in range(RING):
        fire_gather(r, r)

    def group(g, carry):
        for r in range(RING):
            b = g * RING + r

            wait_gather(b, r)

            @pl.when(b >= RING)
            def _():
                wait_store(b - RING, r)

            def row_body(t, tc_):
                for cc in range(VPR):
                    sl = pl.ds(16 * cc, LANES)
                    obuf[r][t, sl] = gbuf[r][t, sl] * SCALE
                return tc_

            lax.fori_loop(0, TSTEP, row_body, 0)

            fire_store(b, r)

            @pl.when(b + RING < BPW)
            def _():
                fire_gather(b + RING, r)

        return carry

    lax.fori_loop(0, BPW // RING, group, 0)

    for b in range((BPW // RING) * RING, BPW):
        r = b % RING
        wait_gather(b, r)
        wait_store(b - RING, r)

        def row_body(t, tc_):
            for cc in range(VPR):
                sl = pl.ds(16 * cc, LANES)
                obuf[r][t, sl] = gbuf[r][t, sl] * SCALE
            return tc_

        lax.fori_loop(0, TSTEP, row_body, 0)
        fire_store(b, r)

    for b in range(BPW - RING, BPW):
        wait_store(b, b % RING)


@jax.jit
def _emb_lookup(table, tokens):
    mesh = plsc.VectorSubcoreMesh(core_axis_name="c", subcore_axis_name="s")
    fn = pl.kernel(
        _emb_kernel_body,
        mesh=mesh,
        out_type=jax.ShapeDtypeStruct((BATCH, TSTEP, EMB), jnp.float32),
        scratch_types=[
            pltpu.VMEM((BPW, TSTEP), jnp.int32),
            pltpu.VMEM((TSTEP, EMB), jnp.float32),
            pltpu.VMEM((TSTEP, EMB), jnp.float32),
            pltpu.VMEM((TSTEP, EMB), jnp.float32),
            pltpu.VMEM((TSTEP, EMB), jnp.float32),
            pltpu.VMEM((TSTEP, EMB), jnp.float32),
            pltpu.VMEM((TSTEP, EMB), jnp.float32),
            pltpu.SemaphoreType.DMA((RING,)),
            pltpu.SemaphoreType.DMA((RING,)),
        ],
        compiler_params=pltpu.CompilerParams(use_tc_tiling_on_sc=False),
    )
    return fn(table, tokens)


def kernel(tokens, table):
    return _emb_lookup(table, tokens.astype(jnp.int32))

# --- scband reference (transcript-rebuilt; emitter-appended) ---
"""Pipeline reference for scband-token-embedding-63178968924729 (READ-ONLY COPY).

The authoritative reference and input builder live on the scoring server;
editing this copy changes nothing except your own understanding.
"""

import jax, jax.numpy as jnp
import numpy as np
import math

VOCAB = 1000000
EMB = 64

def setup_inputs(seed: int = 0) -> dict:
    key = jax.random.key(seed)
    k1, k2 = jax.random.split(key)
    tokens = jax.random.randint(k1, (4096, 200), 0, VOCAB, dtype=jnp.int64 if jax.config.jax_enable_x64 else jnp.int32)
    table = jax.random.normal(k2, (VOCAB, EMB), dtype=jnp.float32)
    return {"tokens": tokens, "table": table}

def reference(tokens, table):
    # nn.Embedding lookup followed by scaling by sqrt(emb_size)
    emb = jnp.take(table, tokens, axis=0)
    return emb * math.sqrt(EMB)

if __name__ == "__main__":
    import jax
    _d = setup_inputs()
    print(jax.jit(kernel)(*tuple(_d.values())))

</pallas_src>

<mosaic_0001>
#map = affine_map<(d0, d1) -> (0, 0)>
#map1 = affine_map<(d0, d1) -> (0, 0, 0)>
module attributes {stable_mosaic.version = 14 : i64} {
  func.func @_emb_kernel_body(%arg0: i32, %arg1: i32, %arg2: memref<1000000x64xf32, #tpu.memory_space<hbm>>, %arg3: memref<4096x200xi32, #tpu.memory_space<hbm>>, %arg4: memref<4096x200x64xf32, #tpu.memory_space<hbm>>, %arg5: memref<128x200xi32, #tpu.memory_space<vmem>>, %arg6: memref<200x64xf32, #tpu.memory_space<vmem>>, %arg7: memref<200x64xf32, #tpu.memory_space<vmem>>, %arg8: memref<200x64xf32, #tpu.memory_space<vmem>>, %arg9: memref<200x64xf32, #tpu.memory_space<vmem>>, %arg10: memref<200x64xf32, #tpu.memory_space<vmem>>, %arg11: memref<200x64xf32, #tpu.memory_space<vmem>>, %arg12: memref<3x!tpu.dma_semaphore, #tpu.memory_space<semaphore_mem>>, %arg13: memref<3x!tpu.dma_semaphore, #tpu.memory_space<semaphore_mem>>) attributes {dimension_semantics = [#tpu.dimension_semantics<core_parallel>, #tpu.dimension_semantics<subcore_parallel>], iteration_bounds = array<i64: 2, 16>, scalar_prefetch = 0 : i64, scratch_operands = 9 : i64, tpu.core_type = #tpu.core_type<sc_vector_subcore>, window_params = [{transform_indices = #map}, {transform_indices = #map}, {transform_indices = #map1}]} {
    %mul3A = arith.constant 2 : i32
    %mul3A_0 = arith.muli %arg1, %mul3A : i32
    %add3A = arith.addi %mul3A_0, %arg0 : i32
    %mul3A_1 = arith.constant 128 : i32
    %mul3A_2 = arith.muli %add3A, %mul3A_1 : i32
    "tpu.region"() ({
      %run_scoped3A = tpu.sem_alloc : memref<!tpu.dma_semaphore, #tpu.memory_space<semaphore_mem>>
      %dma_start3A_239 = arith.constant 0 : i32
      %dma_start3A_240 = tpu.memref_slice %arg3[%mul3A_2, %dma_start3A_239] : memref<4096x200xi32, #tpu.memory_space<hbm>> -> memref<128x200xi32, #tpu.memory_space<hbm>>
      %dma_start3A_241 = arith.constant 0 : i32
      %dma_start3A_242 = tpu.memref_slice %arg3[%mul3A_2, %dma_start3A_241] : memref<4096x200xi32, #tpu.memory_space<hbm>> -> memref<128x200xi32, #tpu.memory_space<hbm>>
      tpu.enqueue_dma source(%dma_start3A_242 : memref<128x200xi32, #tpu.memory_space<hbm>>) target(%arg5 : memref<128x200xi32, #tpu.memory_space<vmem>>) target_semaphore(%run_scoped3A : memref<!tpu.dma_semaphore, #tpu.memory_space<semaphore_mem>>)
      %dma_wait3A_243 = arith.constant 0 : i32
      %dma_wait3A_244 = tpu.memref_slice %arg3[%mul3A_2, %dma_wait3A_243] : memref<4096x200xi32, #tpu.memory_space<hbm>> -> memref<128x200xi32, #tpu.memory_space<hbm>>
      %dma_wait3A_245 = arith.constant 0 : i32
      %dma_wait3A_246 = tpu.memref_slice %arg3[%mul3A_2, %dma_wait3A_245] : memref<4096x200xi32, #tpu.memory_space<hbm>> -> memref<128x200xi32, #tpu.memory_space<hbm>>
      tpu.wait_dma2 semaphore(%run_scoped3A : memref<!tpu.dma_semaphore, #tpu.memory_space<semaphore_mem>>) src(%dma_wait3A_246 : memref<128x200xi32, #tpu.memory_space<hbm>>) dst(%arg5 : memref<128x200xi32, #tpu.memory_space<vmem>>)
      tpu.yield
    }) : () -> ()
    %dma_start3A = arith.constant 0 : i32
    %dma_start3A_3 = arith.constant 0 : i32
    %dma_start3A_4 = arith.constant 0 : i32
    %dma_start3A_5 = arith.constant 0 : i32
    %dma_start3A_6 = tpu.memref_slice %arg6[%dma_start3A_4, %dma_start3A_5] : memref<200x64xf32, #tpu.memory_space<vmem>> -> memref<128x64xf32, #tpu.memory_space<vmem>>
    %dma_start3A_7 = arith.constant 0 : i32
    %dma_start3A_8 = tpu.memref_slice %arg5[%dma_start3A, %dma_start3A_7] : memref<128x200xi32, #tpu.memory_space<vmem>> -> memref<1x128xi32, #tpu.memory_space<vmem>>
    %dma_start3A_9 = tpu.memref_squeeze %dma_start3A_8 : memref<1x128xi32, #tpu.memory_space<vmem>> -> memref<128xi32, #tpu.memory_space<vmem>>
    %dma_start3A_10 = arith.constant 0 : i32
    %dma_start3A_11 = arith.constant 0 : i32
    %dma_start3A_12 = tpu.memref_slice %arg2[%dma_start3A_10, %dma_start3A_11] : memref<1000000x64xf32, #tpu.memory_space<hbm>> -> memref<1000000x64xf32, #tpu.memory_space<hbm>>
    %dma_start3A_13 = tpu.memref_slice %arg12[%dma_start3A_3] : memref<3x!tpu.dma_semaphore, #tpu.memory_space<semaphore_mem>> -> memref<1x!tpu.dma_semaphore, #tpu.memory_space<semaphore_mem>>
    %dma_start3A_14 = tpu.memref_squeeze %dma_start3A_13 : memref<1x!tpu.dma_semaphore, #tpu.memory_space<semaphore_mem>> -> memref<!tpu.dma_semaphore, #tpu.memory_space<semaphore_mem>>
    tpu.enqueue_indirect_dma source(%dma_start3A_12 : memref<1000000x64xf32, #tpu.memory_space<hbm>>) target(%dma_start3A_6 : memref<128x64xf32, #tpu.memory_space<vmem>>) offsets(%dma_start3A_9 : memref<128xi32, #tpu.memory_space<vmem>>) semaphore(%dma_start3A_14 : memref<!tpu.dma_semaphore, #tpu.memory_space<semaphore_mem>>)
    %dma_start3A_15 = arith.constant 0 : i32
    %dma_start3A_16 = arith.constant 0 : i32
    %dma_start3A_17 = arith.constant 128 : i32
    %dma_start3A_18 = arith.constant 0 : i32
    %dma_start3A_19 = tpu.memref_slice %arg6[%dma_start3A_17, %dma_start3A_18] : memref<200x64xf32, #tpu.memory_space<vmem>> -> memref<72x64xf32, #tpu.memory_space<vmem>>
    %dma_start3A_20 = arith.constant 128 : i32
    %dma_start3A_21 = tpu.memref_slice %arg5[%dma_start3A_15, %dma_start3A_20] : memref<128x200xi32, #tpu.memory_space<vmem>> -> memref<1x72xi32, #tpu.memory_space<vmem>>
    %dma_start3A_22 = tpu.memref_squeeze %dma_start3A_21 : memref<1x72xi32, #tpu.memory_space<vmem>> -> memref<72xi32, #tpu.memory_space<vmem>>
    %dma_start3A_23 = arith.constant 0 : i32
    %dma_start3A_24 = arith.constant 0 : i32
    %dma_start3A_25 = tpu.memref_slice %arg2[%dma_start3A_23, %dma_start3A_24] : memref<1000000x64xf32, #tpu.memory_space<hbm>> -> memref<1000000x64xf32, #tpu.memory_space<hbm>>
    %dma_start3A_26 = tpu.memref_slice %arg12[%dma_start3A_16] : memref<3x!tpu.dma_semaphore, #tpu.memory_space<semaphore_mem>> -> memref<1x!tpu.dma_semaphore, #tpu.memory_space<semaphore_mem>>
    %dma_start3A_27 = tpu.memref_squeeze %dma_start3A_26 : memref<1x!tpu.dma_semaphore, #tpu.memory_space<semaphore_mem>> -> memref<!tpu.dma_semaphore, #tpu.memory_space<semaphore_mem>>
    tpu.enqueue_indirect_dma source(%dma_start3A_25 : memref<1000000x64xf32, #tpu.memory_space<hbm>>) target(%dma_start3A_19 : memref<72x64xf32, #tpu.memory_space<vmem>>) offsets(%dma_start3A_22 : memref<72xi32, #tpu.memory_space<vmem>>) semaphore(%dma_start3A_27 : memref<!tpu.dma_semaphore, #tpu.memory_space<semaphore_mem>>)
    %dma_start3A_28 = arith.constant 1 : i32
    %dma_start3A_29 = arith.constant 1 : i32
    %dma_start3A_30 = arith.constant 0 : i32
    %dma_start3A_31 = arith.constant 0 : i32
    %dma_start3A_32 = tpu.memref_slice %arg7[%dma_start3A_30, %dma_start3A_31] : memref<200x64xf32, #tpu.memory_space<vmem>> -> memref<128x64xf32, #tpu.memory_space<vmem>>
    %dma_start3A_33 = arith.constant 0 : i32
    %dma_start3A_34 = tpu.memref_slice %arg5[%dma_start3A_28, %dma_start3A_33] : memref<128x200xi32, #tpu.memory_space<vmem>> -> memref<1x128xi32, #tpu.memory_space<vmem>>
    %dma_start3A_35 = tpu.memref_squeeze %dma_start3A_34 : memref<1x128xi32, #tpu.memory_space<vmem>> -> memref<128xi32, #tpu.memory_space<vmem>>
    %dma_start3A_36 = arith.constant 0 : i32
    %dma_start3A_37 = arith.constant 0 : i32
    %dma_start3A_38 = tpu.memref_slice %arg2[%dma_start3A_36, %dma_start3A_37] : memref<1000000x64xf32, #tpu.memory_space<hbm>> -> memref<1000000x64xf32, #tpu.memory_space<hbm>>
    %dma_start3A_39 = tpu.memref_slice %arg12[%dma_start3A_29] : memref<3x!tpu.dma_semaphore, #tpu.memory_space<semaphore_mem>> -> memref<1x!tpu.dma_semaphore, #tpu.memory_space<semaphore_mem>>
    %dma_start3A_40 = tpu.memref_squeeze %dma_start3A_39 : memref<1x!tpu.dma_semaphore, #tpu.memory_space<semaphore_mem>> -> memref<!tpu.dma_semaphore, #tpu.memory_space<semaphore_mem>>
    tpu.enqueue_indirect_dma source(%dma_start3A_38 : memref<1000000x64xf32, #tpu.memory_space<hbm>>) target(%dma_start3A_32 : memref<128x64xf32, #tpu.memory_space<vmem>>) offsets(%dma_start3A_35 : memref<128xi32, #tpu.memory_space<vmem>>) semaphore(%dma_start3A_40 : memref<!tpu.dma_semaphore, #tpu.memory_space<semaphore_mem>>)
    %dma_start3A_41 = arith.constant 1 : i32
    %dma_start3A_42 = arith.constant 1 : i32
    %dma_start3A_43 = arith.constant 128 : i32
    %dma_start3A_44 = arith.constant 0 : i32
    %dma_start3A_45 = tpu.memref_slice %arg7[%dma_start3A_43, %dma_start3A_44] : memref<200x64xf32, #tpu.memory_space<vmem>> -> memref<72x64xf32, #tpu.memory_space<vmem>>
    %dma_start3A_46 = arith.constant 128 : i32
    %dma_start3A_47 = tpu.memref_slice %arg5[%dma_start3A_41, %dma_start3A_46] : memref<128x200xi32, #tpu.memory_space<vmem>> -> memref<1x72xi32, #tpu.memory_space<vmem>>
    %dma_start3A_48 = tpu.memref_squeeze %dma_start3A_47 : memref<1x72xi32, #tpu.memory_space<vmem>> -> memref<72xi32, #tpu.memory_space<vmem>>
    %dma_start3A_49 = arith.constant 0 : i32
    %dma_start3A_50 = arith.constant 0 : i32
    %dma_start3A_51 = tpu.memref_slice %arg2[%dma_start3A_49, %dma_start3A_50] : memref<1000000x64xf32, #tpu.memory_space<hbm>> -> memref<1000000x64xf32, #tpu.memory_space<hbm>>
    %dma_start3A_52 = tpu.memref_slice %arg12[%dma_start3A_42] : memref<3x!tpu.dma_semaphore, #tpu.memory_space<semaphore_mem>> -> memref<1x!tpu.dma_semaphore, #tpu.memory_space<semaphore_mem>>
    %dma_start3A_53 = tpu.memref_squeeze %dma_start3A_52 : memref<1x!tpu.dma_semaphore, #tpu.memory_space<semaphore_mem>> -> memref<!tpu.dma_semaphore, #tpu.memory_space<semaphore_mem>>
    tpu.enqueue_indirect_dma source(%dma_start3A_51 : memref<1000000x64xf32, #tpu.memory_space<hbm>>) target(%dma_start3A_45 : memref<72x64xf32, #tpu.memory_space<vmem>>) offsets(%dma_start3A_48 : memref<72xi32, #tpu.memory_space<vmem>>) semaphore(%dma_start3A_53 : memref<!tpu.dma_semaphore, #tpu.memory_space<semaphore_mem>>)
    %dma_start3A_54 = arith.constant 2 : i32
    %dma_start3A_55 = arith.constant 2 : i32
    %dma_start3A_56 = arith.constant 0 : i32
    %dma_start3A_57 = arith.constant 0 : i32
    %dma_start3A_58 = tpu.memref_slice %arg8[%dma_start3A_56, %dma_start3A_57] : memref<200x64xf32, #tpu.memory_space<vmem>> -> memref<128x64xf32, #tpu.memory_space<vmem>>
    %dma_start3A_59 = arith.constant 0 : i32
    %dma_start3A_60 = tpu.memref_slice %arg5[%dma_start3A_54, %dma_start3A_59] : memref<128x200xi32, #tpu.memory_space<vmem>> -> memref<1x128xi32, #tpu.memory_space<vmem>>
    %dma_start3A_61 = tpu.memref_squeeze %dma_start3A_60 : memref<1x128xi32, #tpu.memory_space<vmem>> -> memref<128xi32, #tpu.memory_space<vmem>>
    %dma_start3A_62 = arith.constant 0 : i32
    %dma_start3A_63 = arith.constant 0 : i32
    %dma_start3A_64 = tpu.memref_slice %arg2[%dma_start3A_62, %dma_start3A_63] : memref<1000000x64xf32, #tpu.memory_space<hbm>> -> memref<1000000x64xf32, #tpu.memory_space<hbm>>
    %dma_start3A_65 = tpu.memref_slice %arg12[%dma_start3A_55] : memref<3x!tpu.dma_semaphore, #tpu.memory_space<semaphore_mem>> -> memref<1x!tpu.dma_semaphore, #tpu.memory_space<semaphore_mem>>
    %dma_start3A_66 = tpu.memref_squeeze %dma_start3A_65 : memref<1x!tpu.dma_semaphore, #tpu.memory_space<semaphore_mem>> -> memref<!tpu.dma_semaphore, #tpu.memory_space<semaphore_mem>>
    tpu.enqueue_indirect_dma source(%dma_start3A_64 : memref<1000000x64xf32, #tpu.memory_space<hbm>>) target(%dma_start3A_58 : memref<128x64xf32, #tpu.memory_space<vmem>>) offsets(%dma_start3A_61 : memref<128xi32, #tpu.memory_space<vmem>>) semaphore(%dma_start3A_66 : memref<!tpu.dma_semaphore, #tpu.memory_space<semaphore_mem>>)
    %dma_start3A_67 = arith.constant 2 : i32
    %dma_start3A_68 = arith.constant 2 : i32
    %dma_start3A_69 = arith.constant 128 : i32
    %dma_start3A_70 = arith.constant 0 : i32
    %dma_start3A_71 = tpu.memref_slice %arg8[%dma_start3A_69, %dma_start3A_70] : memref<200x64xf32, #tpu.memory_space<vmem>> -> memref<72x64xf32, #tpu.memory_space<vmem>>
    %dma_start3A_72 = arith.constant 128 : i32
    %dma_start3A_73 = tpu.memref_slice %arg5[%dma_start3A_67, %dma_start3A_72] : memref<128x200xi32, #tpu.memory_space<vmem>> -> memref<1x72xi32, #tpu.memory_space<vmem>>
    %dma_start3A_74 = tpu.memref_squeeze %dma_start3A_73 : memref<1x72xi32, #tpu.memory_space<vmem>> -> memref<72xi32, #tpu.memory_space<vmem>>
    %dma_start3A_75 = arith.constant 0 : i32
    %dma_start3A_76 = arith.constant 0 : i32
    %dma_start3A_77 = tpu.memref_slice %arg2[%dma_start3A_75, %dma_start3A_76] : memref<1000000x64xf32, #tpu.memory_space<hbm>> -> memref<1000000x64xf32, #tpu.memory_space<hbm>>
    %dma_start3A_78 = tpu.memref_slice %arg12[%dma_start3A_68] : memref<3x!tpu.dma_semaphore, #tpu.memory_space<semaphore_mem>> -> memref<1x!tpu.dma_semaphore, #tpu.memory_space<semaphore_mem>>
    %dma_start3A_79 = tpu.memref_squeeze %dma_start3A_78 : memref<1x!tpu.dma_semaphore, #tpu.memory_space<semaphore_mem>> -> memref<!tpu.dma_semaphore, #tpu.memory_space<semaphore_mem>>
    tpu.enqueue_indirect_dma source(%dma_start3A_77 : memref<1000000x64xf32, #tpu.memory_space<hbm>>) target(%dma_start3A_71 : memref<72x64xf32, #tpu.memory_space<vmem>>) offsets(%dma_start3A_74 : memref<72xi32, #tpu.memory_space<vmem>>) semaphore(%dma_start3A_79 : memref<!tpu.dma_semaphore, #tpu.memory_space<semaphore_mem>>)
    %scan3A = arith.constant 0 : i32
    %scan3A_80 = arith.constant 0 : i32
    %scan3A_81 = arith.constant 42 : i32
    %scan3A_82 = arith.addi %scan3A_80, %scan3A_81 : i32
    %scan3A_83 = arith.constant 1 : i32
    scf.for %scan3A_239 = %scan3A_80 to %scan3A_82 step %scan3A_83  : i32 {
      %mul3A_240 = arith.constant 3 : i32
      %mul3A_241 = arith.muli %scan3A_239, %mul3A_240 : i32
      %add3A_242 = arith.constant 0 : i32
      %add3A_243 = arith.addi %mul3A_241, %add3A_242 : i32
      %dma_wait3A_244 = arith.constant 0 : i32
      %dma_wait3A_245 = arith.constant 0 : i32
      %dma_wait3A_246 = arith.constant 0 : i32
      %dma_wait3A_247 = tpu.memref_slice %arg6[%dma_wait3A_245, %dma_wait3A_246] : memref<200x64xf32, #tpu.memory_space<vmem>> -> memref<128x64xf32, #tpu.memory_space<vmem>>
      %dma_wait3A_248 = arith.constant 0 : i32
      %dma_wait3A_249 = tpu.memref_slice %arg5[%add3A_243, %dma_wait3A_248] : memref<128x200xi32, #tpu.memory_space<vmem>> -> memref<1x128xi32, #tpu.memory_space<vmem>>
      %dma_wait3A_250 = tpu.memref_squeeze %dma_wait3A_249 : memref<1x128xi32, #tpu.memory_space<vmem>> -> memref<128xi32, #tpu.memory_space<vmem>>
      %dma_wait3A_251 = arith.constant 0 : i32
      %dma_wait3A_252 = arith.constant 0 : i32
      %dma_wait3A_253 = tpu.memref_slice %arg2[%dma_wait3A_251, %dma_wait3A_252] : memref<1000000x64xf32, #tpu.memory_space<hbm>> -> memref<1000000x64xf32, #tpu.memory_space<hbm>>
      %dma_wait3A_254 = tpu.memref_slice %arg12[%dma_wait3A_244] : memref<3x!tpu.dma_semaphore, #tpu.memory_space<semaphore_mem>> -> memref<1x!tpu.dma_semaphore, #tpu.memory_space<semaphore_mem>>
      %dma_wait3A_255 = tpu.memref_squeeze %dma_wait3A_254 : memref<1x!tpu.dma_semaphore, #tpu.memory_space<semaphore_mem>> -> memref<!tpu.dma_semaphore, #tpu.memory_space<semaphore_mem>>
      tpu.wait_indirect_dma semaphore(%dma_wait3A_255 : memref<!tpu.dma_semaphore, #tpu.memory_space<semaphore_mem>>) src(%dma_wait3A_253 : memref<1000000x64xf32, #tpu.memory_space<hbm>>) dst(%dma_wait3A_247 : memref<128x64xf32, #tpu.memory_space<vmem>>)
      %dma_wait3A_256 = arith.constant 0 : i32
      %dma_wait3A_257 = arith.constant 128 : i32
      %dma_wait3A_258 = arith.constant 0 : i32
      %dma_wait3A_259 = tpu.memref_slice %arg6[%dma_wait3A_257, %dma_wait3A_258] : memref<200x64xf32, #tpu.memory_space<vmem>> -> memref<72x64xf32, #tpu.memory_space<vmem>>
      %dma_wait3A_260 = arith.constant 128 : i32
      %dma_wait3A_261 = tpu.memref_slice %arg5[%add3A_243, %dma_wait3A_260] : memref<128x200xi32, #tpu.memory_space<vmem>> -> memref<1x72xi32, #tpu.memory_space<vmem>>
      %dma_wait3A_262 = tpu.memref_squeeze %dma_wait3A_261 : memref<1x72xi32, #tpu.memory_space<vmem>> -> memref<72xi32, #tpu.memory_space<vmem>>
      %dma_wait3A_263 = arith.constant 0 : i32
      %dma_wait3A_264 = arith.constant 0 : i32
      %dma_wait3A_265 = tpu.memref_slice %arg2[%dma_wait3A_263, %dma_wait3A_264] : memref<1000000x64xf32, #tpu.memory_space<hbm>> -> memref<1000000x64xf32, #tpu.memory_space<hbm>>
      %dma_wait3A_266 = tpu.memref_slice %arg12[%dma_wait3A_256] : memref<3x!tpu.dma_semaphore, #tpu.memory_space<semaphore_mem>> -> memref<1x!tpu.dma_semaphore, #tpu.memory_space<semaphore_mem>>
      %dma_wait3A_267 = tpu.memref_squeeze %dma_wait3A_266 : memref<1x!tpu.dma_semaphore, #tpu.memory_space<semaphore_mem>> -> memref<!tpu.dma_semaphore, #tpu.memory_space<semaphore_mem>>
      tpu.wait_indirect_dma semaphore(%dma_wait3A_267 : memref<!tpu.dma_semaphore, #tpu.memory_space<semaphore_mem>>) src(%dma_wait3A_265 : memref<1000000x64xf32, #tpu.memory_space<hbm>>) dst(%dma_wait3A_259 : memref<72x64xf32, #tpu.memory_space<vmem>>)
      %ge3A = arith.constant 3 : i32
      %ge3A_268 = arith.cmpi sge, %add3A_243, %ge3A : i32
      %convert_element_type3A = arith.extui %ge3A_268 : i1 to i32
      %cond3A = arith.constant 0 : i32
      %cond3A_269 = arith.cmpi ne, %convert_element_type3A, %cond3A : i32
      scf.if %cond3A_269 {
        %sub3A = arith.constant 3 : i32
        %sub3A_410 = arith.subi %add3A_243, %sub3A : i32
        %add3A_411 = arith.addi %mul3A_2, %sub3A_410 : i32
        %dma_wait3A_412 = arith.constant 0 : i32
        %dma_wait3A_413 = arith.constant 0 : i32
        %dma_wait3A_414 = arith.constant 0 : i32
        %dma_wait3A_415 = tpu.memref_slice %arg4[%add3A_411, %dma_wait3A_413, %dma_wait3A_414] : memref<4096x200x64xf32, #tpu.memory_space<hbm>> -> memref<1x200x64xf32, #tpu.memory_space<hbm>>
        %dma_wait3A_416 = tpu.memref_squeeze %dma_wait3A_415 : memref<1x200x64xf32, #tpu.memory_space<hbm>> -> memref<200x64xf32, #tpu.memory_space<hbm>>
        %dma_wait3A_417 = tpu.memref_slice %arg13[%dma_wait3A_412] : memref<3x!tpu.dma_semaphore, #tpu.memory_space<semaphore_mem>> -> memref<1x!tpu.dma_semaphore, #tpu.memory_space<semaphore_mem>>
        %dma_wait3A_418 = tpu.memref_squeeze %dma_wait3A_417 : memref<1x!tpu.dma_semaphore, #tpu.memory_space<semaphore_mem>> -> memref<!tpu.dma_semaphore, #tpu.memory_space<semaphore_mem>>
        %dma_wait3A_419 = arith.constant 0 : i32
        %dma_wait3A_420 = arith.constant 0 : i32
        %dma_wait3A_421 = tpu.memref_slice %arg4[%add3A_411, %dma_wait3A_419, %dma_wait3A_420] : memref<4096x200x64xf32, #tpu.memory_space<hbm>> -> memref<1x200x64xf32, #tpu.memory_space<hbm>>
        %dma_wait3A_422 = tpu.memref_squeeze %dma_wait3A_421 : memref<1x200x64xf32, #tpu.memory_space<hbm>> -> memref<200x64xf32, #tpu.memory_space<hbm>>
        tpu.wait_dma2 semaphore(%dma_wait3A_418 : memref<!tpu.dma_semaphore, #tpu.memory_space<semaphore_mem>>) src(%arg9 : memref<200x64xf32, #tpu.memory_space<vmem>>) dst(%dma_wait3A_422 : memref<200x64xf32, #tpu.memory_space<hbm>>)
      } else {
      }
      %scan3A_270 = arith.constant 0 : i32
      %scan3A_271 = arith.constant 0 : i32
      %scan3A_272 = arith.constant 200 : i32
      %scan3A_273 = arith.addi %scan3A_271, %scan3A_272 : i32
      %scan3A_274 = arith.constant 1 : i32
      scf.for %scan3A_410 = %scan3A_271 to %scan3A_273 step %scan3A_274  : i32 {
        %get3A = arith.index_cast %scan3A_410 : i32 to index
        %get3A_411 = arith.constant 0 : index
        %get3A_412 = tpu.vector_load %arg6[%get3A, %get3A_411] {strides = array<i32>} : memref<200x64xf32, #tpu.memory_space<vmem>>, vector<1x16xf32>,
        %get3A_413 = vector.shape_cast %get3A_412 : vector<1x16xf32> to vector<16xf32>
        %mul3A_414 = arith.constant 8.000000e+00 : f32
        %mul3A_415 = vector.broadcast %mul3A_414 : f32 to vector<16xf32>
        %mul3A_416 = arith.mulf %get3A_413, %mul3A_415 : vector<16xf32>
        %swap3A = arith.index_cast %scan3A_410 : i32 to index
        %swap3A_417 = arith.constant 0 : index
        %swap3A_418 = tpu.vector_load %arg9[%swap3A, %swap3A_417] {strides = array<i32>} : memref<200x64xf32, #tpu.memory_space<vmem>>, vector<1x16xf32>,
        %swap3A_419 = vector.shape_cast %swap3A_418 : vector<1x16xf32> to vector<16xf32>
        %swap3A_420 = vector.shape_cast %mul3A_416 : vector<16xf32> to vector<1x16xf32>
        tpu.vector_store %arg9[%swap3A, %swap3A_417], %swap3A_420 {strides = array<i32>} : memref<200x64xf32, #tpu.memory_space<vmem>>, vector<1x16xf32>,
        %get3A_421 = arith.index_cast %scan3A_410 : i32 to index
        %get3A_422 = arith.constant 16 : index
        %get3A_423 = tpu.vector_load %arg6[%get3A_421, %get3A_422] {strides = array<i32>} : memref<200x64xf32, #tpu.memory_space<vmem>>, vector<1x16xf32>,
        %get3A_424 = vector.shape_cast %get3A_423 : vector<1x16xf32> to vector<16xf32>
        %mul3A_425 = arith.constant 8.000000e+00 : f32
        %mul3A_426 = vector.broadcast %mul3A_425 : f32 to vector<16xf32>
        %mul3A_427 = arith.mulf %get3A_424, %mul3A_426 : vector<16xf32>
        %swap3A_428 = arith.index_cast %scan3A_410 : i32 to index
        %swap3A_429 = arith.constant 16 : index
        %swap3A_430 = tpu.vector_load %arg9[%swap3A_428, %swap3A_429] {strides = array<i32>} : memref<200x64xf32, #tpu.memory_space<vmem>>, vector<1x16xf32>,
        %swap3A_431 = vector.shape_cast %swap3A_430 : vector<1x16xf32> to vector<16xf32>
        %swap3A_432 = vector.shape_cast %mul3A_427 : vector<16xf32> to vector<1x16xf32>
        tpu.vector_store %arg9[%swap3A_428, %swap3A_429], %swap3A_432 {strides = array<i32>} : memref<200x64xf32, #tpu.memory_space<vmem>>, vector<1x16xf32>,
        %get3A_433 = arith.index_cast %scan3A_410 : i32 to index
        %get3A_434 = arith.constant 32 : index
        %get3A_435 = tpu.vector_load %arg6[%get3A_433, %get3A_434] {strides = array<i32>} : memref<200x64xf32, #tpu.memory_space<vmem>>, vector<1x16xf32>,
        %get3A_436 = vector.shape_cast %get3A_435 : vector<1x16xf32> to vector<16xf32>
        %mul3A_437 = arith.constant 8.000000e+00 : f32
        %mul3A_438 = vector.broadcast %mul3A_437 : f32 to vector<16xf32>
        %mul3A_439 = arith.mulf %get3A_436, %mul3A_438 : vector<16xf32>
        %swap3A_440 = arith.index_cast %scan3A_410 : i32 to index
        %swap3A_441 = arith.constant 32 : index
        %swap3A_442 = tpu.vector_load %arg9[%swap3A_440, %swap3A_441] {strides = array<i32>} : memref<200x64xf32, #tpu.memory_space<vmem>>, vector<1x16xf32>,
        %swap3A_443 = vector.shape_cast %swap3A_442 : vector<1x16xf32> to vector<16xf32>
        %swap3A_444 = vector.shape_cast %mul3A_439 : vector<16xf32> to vector<1x16xf32>
        tpu.vector_store %arg9[%swap3A_440, %swap3A_441], %swap3A_444 {strides = array<i32>} : memref<200x64xf32, #tpu.memory_space<vmem>>, vector<1x16xf32>,
        %get3A_445 = arith.index_cast %scan3A_410 : i32 to index
        %get3A_446 = arith.constant 48 : index
        %get3A_447 = tpu.vector_load %arg6[%get3A_445, %get3A_446] {strides = array<i32>} : memref<200x64xf32, #tpu.memory_space<vmem>>, vector<1x16xf32>,
        %get3A_448 = vector.shape_cast %get3A_447 : vector<1x16xf32> to vector<16xf32>
        %mul3A_449 = arith.constant 8.000000e+00 : f32
        %mul3A_450 = vector.broadcast %mul3A_449 : f32 to vector<16xf32>
        %mul3A_451 = arith.mulf %get3A_448, %mul3A_450 : vector<16xf32>
        %swap3A_452 = arith.index_cast %scan3A_410 : i32 to index
        %swap3A_453 = arith.constant 48 : index
        %swap3A_454 = tpu.vector_load %arg9[%swap3A_452, %swap3A_453] {strides = array<i32>} : memref<200x64xf32, #tpu.memory_space<vmem>>, vector<1x16xf32>,
        %swap3A_455 = vector.shape_cast %swap3A_454 : vector<1x16xf32> to vector<16xf32>
        %swap3A_456 = vector.shape_cast %mul3A_451 : vector<16xf32> to vector<1x16xf32>
        tpu.vector_store %arg9[%swap3A_452, %swap3A_453], %swap3A_456 {strides = array<i32>} : memref<200x64xf32, #tpu.memory_space<vmem>>, vector<1x16xf32>,
      }
      %scan3A_275 = arith.constant 200 : i32
      %add3A_276 = arith.addi %mul3A_2, %add3A_243 : i32
      %dma_start3A_277 = arith.constant 0 : i32
      %dma_start3A_278 = arith.constant 0 : i32
      %dma_start3A_279 = arith.constant 0 : i32
      %dma_start3A_280 = tpu.memref_slice %arg4[%add3A_276, %dma_start3A_278, %dma_start3A_279] : memref<4096x200x64xf32, #tpu.memory_space<hbm>> -> memref<1x200x64xf32, #tpu.memory_space<hbm>>
      %dma_start3A_281 = tpu.memref_squeeze %dma_start3A_280 : memref<1x200x64xf32, #tpu.memory_space<hbm>> -> memref<200x64xf32, #tpu.memory_space<hbm>>
      %dma_start3A_282 = tpu.memref_slice %arg13[%dma_start3A_277] : memref<3x!tpu.dma_semaphore, #tpu.memory_space<semaphore_mem>> -> memref<1x!tpu.dma_semaphore, #tpu.memory_space<semaphore_mem>>
      %dma_start3A_283 = tpu.memref_squeeze %dma_start3A_282 : memref<1x!tpu.dma_semaphore, #tpu.memory_space<semaphore_mem>> -> memref<!tpu.dma_semaphore, #tpu.memory_space<semaphore_mem>>
      %dma_start3A_284 = arith.constant 0 : i32
      %dma_start3A_285 = arith.constant 0 : i32
      %dma_start3A_286 = tpu.memref_slice %arg4[%add3A_276, %dma_start3A_284, %dma_start3A_285] : memref<4096x200x64xf32, #tpu.memory_space<hbm>> -> memref<1x200x64xf32, #tpu.memory_space<hbm>>
      %dma_start3A_287 = tpu.memref_squeeze %dma_start3A_286 : memref<1x200x64xf32, #tpu.memory_space<hbm>> -> memref<200x64xf32, #tpu.memory_space<hbm>>
      tpu.enqueue_dma source(%arg9 : memref<200x64xf32, #tpu.memory_space<vmem>>) target(%dma_start3A_287 : memref<200x64xf32, #tpu.memory_space<hbm>>) target_semaphore(%dma_start3A_283 : memref<!tpu.dma_semaphore, #tpu.memory_space<semaphore_mem>>)
      %add3A_288 = arith.constant 3 : i32
      %add3A_289 = arith.addi %add3A_243, %add3A_288 : i32
      %lt3A = arith.constant 128 : i32
      %lt3A_290 = arith.cmpi slt, %add3A_289, %lt3A : i32
      %convert_element_type3A_291 = arith.extui %lt3A_290 : i1 to i32
      %cond3A_292 = arith.constant 0 : i32
      %cond3A_293 = arith.cmpi ne, %convert_element_type3A_291, %cond3A_292 : i32
      scf.if %cond3A_293 {
        %add3A_410 = arith.constant 3 : i32
        %add3A_411 = arith.addi %add3A_243, %add3A_410 : i32
        %dma_start3A_412 = arith.constant 0 : i32
        %dma_start3A_413 = arith.constant 0 : i32
        %dma_start3A_414 = arith.constant 0 : i32
        %dma_start3A_415 = tpu.memref_slice %arg6[%dma_start3A_413, %dma_start3A_414] : memref<200x64xf32, #tpu.memory_space<vmem>> -> memref<128x64xf32, #tpu.memory_space<vmem>>
        %dma_start3A_416 = arith.constant 0 : i32
        %dma_start3A_417 = tpu.memref_slice %arg5[%add3A_411, %dma_start3A_416] : memref<128x200xi32, #tpu.memory_space<vmem>> -> memref<1x128xi32, #tpu.memory_space<vmem>>
        %dma_start3A_418 = tpu.memref_squeeze %dma_start3A_417 : memref<1x128xi32, #tpu.memory_space<vmem>> -> memref<128xi32, #tpu.memory_space<vmem>>
        %dma_start3A_419 = arith.constant 0 : i32
        %dma_start3A_420 = arith.constant 0 : i32
        %dma_start3A_421 = tpu.memref_slice %arg2[%dma_start3A_419, %dma_start3A_420] : memref<1000000x64xf32, #tpu.memory_space<hbm>> -> memref<1000000x64xf32, #tpu.memory_space<hbm>>
        %dma_start3A_422 = tpu.memref_slice %arg12[%dma_start3A_412] : memref<3x!tpu.dma_semaphore, #tpu.memory_space<semaphore_mem>> -> memref<1x!tpu.dma_semaphore, #tpu.memory_space<semaphore_mem>>
        %dma_start3A_423 = tpu.memref_squeeze %dma_start3A_422 : memref<1x!tpu.dma_semaphore, #tpu.memory_space<semaphore_mem>> -> memref<!tpu.dma_semaphore, #tpu.memory_space<semaphore_mem>>
        tpu.enqueue_indirect_dma source(%dma_start3A_421 : memref<1000000x64xf32, #tpu.memory_space<hbm>>) target(%dma_start3A_415 : memref<128x64xf32, #tpu.memory_space<vmem>>) offsets(%dma_start3A_418 : memref<128xi32, #tpu.memory_space<vmem>>) semaphore(%dma_start3A_423 : memref<!tpu.dma_semaphore, #tpu.memory_space<semaphore_mem>>)
        %dma_start3A_424 = arith.constant 0 : i32
        %dma_start3A_425 = arith.constant 128 : i32
        %dma_start3A_426 = arith.constant 0 : i32
        %dma_start3A_427 = tpu.memref_slice %arg6[%dma_start3A_425, %dma_start3A_426] : memref<200x64xf32, #tpu.memory_space<vmem>> -> memref<72x64xf32, #tpu.memory_space<vmem>>
        %dma_start3A_428 = arith.constant 128 : i32
        %dma_start3A_429 = tpu.memref_slice %arg5[%add3A_411, %dma_start3A_428] : memref<128x200xi32, #tpu.memory_space<vmem>> -> memref<1x72xi32, #tpu.memory_space<vmem>>
        %dma_start3A_430 = tpu.memref_squeeze %dma_start3A_429 : memref<1x72xi32, #tpu.memory_space<vmem>> -> memref<72xi32, #tpu.memory_space<vmem>>
        %dma_start3A_431 = arith.constant 0 : i32
        %dma_start3A_432 = arith.constant 0 : i32
        %dma_start3A_433 = tpu.memref_slice %arg2[%dma_start3A_431, %dma_start3A_432] : memref<1000000x64xf32, #tpu.memory_space<hbm>> -> memref<1000000x64xf32, #tpu.memory_space<hbm>>
        %dma_start3A_434 = tpu.memref_slice %arg12[%dma_start3A_424] : memref<3x!tpu.dma_semaphore, #tpu.memory_space<semaphore_mem>> -> memref<1x!tpu.dma_semaphore, #tpu.memory_space<semaphore_mem>>
        %dma_start3A_435 = tpu.memref_squeeze %dma_start3A_434 : memref<1x!tpu.dma_semaphore, #tpu.memory_space<semaphore_mem>> -> memref<!tpu.dma_semaphore, #tpu.memory_space<semaphore_mem>>
        tpu.enqueue_indirect_dma source(%dma_start3A_433 : memref<1000000x64xf32, #tpu.memory_space<hbm>>) target(%dma_start3A_427 : memref<72x64xf32, #tpu.memory_space<vmem>>) offsets(%dma_start3A_430 : memref<72xi32, #tpu.memory_space<vmem>>) semaphore(%dma_start3A_435 : memref<!tpu.dma_semaphore, #tpu.memory_space<semaphore_mem>>)
      } else {
      }
      %mul3A_294 = arith.constant 3 : i32
      %mul3A_295 = arith.muli %scan3A_239, %mul3A_294 : i32
      %add3A_296 = arith.constant 1 : i32
      %add3A_297 = arith.addi %mul3A_295, %add3A_296 : i32
      %dma_wait3A_298 = arith.constant 1 : i32
      %dma_wait3A_299 = arith.constant 0 : i32
      %dma_wait3A_300 = arith.constant 0 : i32
      %dma_wait3A_301 = tpu.memref_slice %arg7[%dma_wait3A_299, %dma_wait3A_300] : memref<200x64xf32, #tpu.memory_space<vmem>> -> memref<128x64xf32, #tpu.memory_space<vmem>>
      %dma_wait3A_302 = arith.constant 0 : i32
      %dma_wait3A_303 = tpu.memref_slice %arg5[%add3A_297, %dma_wait3A_302] : memref<128x200xi32, #tpu.memory_space<vmem>> -> memref<1x128xi32, #tpu.memory_space<vmem>>
      %dma_wait3A_304 = tpu.memref_squeeze %dma_wait3A_303 : memref<1x128xi32, #tpu.memory_space<vmem>> -> memref<128xi32, #tpu.memory_space<vmem>>
      %dma_wait3A_305 = arith.constant 0 : i32
      %dma_wait3A_306 = arith.constant 0 : i32
      %dma_wait3A_307 = tpu.memref_slice %arg2[%dma_wait3A_305, %dma_wait3A_306] : memref<1000000x64xf32, #tpu.memory_space<hbm>> -> memref<1000000x64xf32, #tpu.memory_space<hbm>>
      %dma_wait3A_308 = tpu.memref_slice %arg12[%dma_wait3A_298] : memref<3x!tpu.dma_semaphore, #tpu.memory_space<semaphore_mem>> -> memref<1x!tpu.dma_semaphore, #tpu.memory_space<semaphore_mem>>
      %dma_wait3A_309 = tpu.memref_squeeze %dma_wait3A_308 : memref<1x!tpu.dma_semaphore, #tpu.memory_space<semaphore_mem>> -> memref<!tpu.dma_semaphore, #tpu.memory_space<semaphore_mem>>
      tpu.wait_indirect_dma semaphore(%dma_wait3A_309 : memref<!tpu.dma_semaphore, #tpu.memory_space<semaphore_mem>>) src(%dma_wait3A_307 : memref<1000000x64xf32, #tpu.memory_space<hbm>>) dst(%dma_wait3A_301 : memref<128x64xf32, #tpu.memory_space<vmem>>)
      %dma_wait3A_310 = arith.constant 1 : i32
      %dma_wait3A_311 = arith.constant 128 : i32
      %dma_wait3A_312 = arith.constant 0 : i32
      %dma_wait3A_313 = tpu.memref_slice %arg7[%dma_wait3A_311, %dma_wait3A_312] : memref<200x64xf32, #tpu.memory_space<vmem>> -> memref<72x64xf32, #tpu.memory_space<vmem>>
      %dma_wait3A_314 = arith.constant 128 : i32
      %dma_wait3A_315 = tpu.memref_slice %arg5[%add3A_297, %dma_wait3A_314] : memref<128x200xi32, #tpu.memory_space<vmem>> -> memref<1x72xi32, #tpu.memory_space<vmem>>
      %dma_wait3A_316 = tpu.memref_squeeze %dma_wait3A_315 : memref<1x72xi32, #tpu.memory_space<vmem>> -> memref<72xi32, #tpu.memory_space<vmem>>
      %dma_wait3A_317 = arith.constant 0 : i32
      %dma_wait3A_318 = arith.constant 0 : i32
      %dma_wait3A_319 = tpu.memref_slice %arg2[%dma_wait3A_317, %dma_wait3A_318] : memref<1000000x64xf32, #tpu.memory_space<hbm>> -> memref<1000000x64xf32, #tpu.memory_space<hbm>>
      %dma_wait3A_320 = tpu.memref_slice %arg12[%dma_wait3A_310] : memref<3x!tpu.dma_semaphore, #tpu.memory_space<semaphore_mem>> -> memref<1x!tpu.dma_semaphore, #tpu.memory_space<semaphore_mem>>
      %dma_wait3A_321 = tpu.memref_squeeze %dma_wait3A_320 : memref<1x!tpu.dma_semaphore, #tpu.memory_space<semaphore_mem>> -> memref<!tpu.dma_semaphore, #tpu.memory_space<semaphore_mem>>
      tpu.wait_indirect_dma semaphore(%dma_wait3A_321 : memref<!tpu.dma_semaphore, #tpu.memory_space<semaphore_mem>>) src(%dma_wait3A_319 : memref<1000000x64xf32, #tpu.memory_space<hbm>>) dst(%dma_wait3A_313 : memref<72x64xf32, #tpu.memory_space<vmem>>)
      %ge3A_322 = arith.constant 3 : i32
      %ge3A_323 = arith.cmpi sge, %add3A_297, %ge3A_322 : i32
      %convert_element_type3A_324 = arith.extui %ge3A_323 : i1 to i32
      %cond3A_325 = arith.constant 0 : i32
      %cond3A_326 = arith.cmpi ne, %convert_element_type3A_324, %cond3A_325 : i32
      scf.if %cond3A_326 {
        %sub3A = arith.constant 3 : i32
        %sub3A_410 = arith.subi %add3A_297, %sub3A : i32
        %add3A_411 = arith.addi %mul3A_2, %sub3A_410 : i32
        %dma_wait3A_412 = arith.constant 1 : i32
        %dma_wait3A_413 = arith.constant 0 : i32
        %dma_wait3A_414 = arith.constant 0 : i32
        %dma_wait3A_415 = tpu.memref_slice %arg4[%add3A_411, %dma_wait3A_413, %dma_wait3A_414] : memref<4096x200x64xf32, #tpu.memory_space<hbm>> -> memref<1x200x64xf32, #tpu.memory_space<hbm>>
        %dma_wait3A_416 = tpu.memref_squeeze %dma_wait3A_415 : memref<1x200x64xf32, #tpu.memory_space<hbm>> -> memref<200x64xf32, #tpu.memory_space<hbm>>
        %dma_wait3A_417 = tpu.memref_slice %arg13[%dma_wait3A_412] : memref<3x!tpu.dma_semaphore, #tpu.memory_space<semaphore_mem>> -> memref<1x!tpu.dma_semaphore, #tpu.memory_space<semaphore_mem>>
        %dma_wait3A_418 = tpu.memref_squeeze %dma_wait3A_417 : memref<1x!tpu.dma_semaphore, #tpu.memory_space<semaphore_mem>> -> memref<!tpu.dma_semaphore, #tpu.memory_space<semaphore_mem>>
        %dma_wait3A_419 = arith.constant 0 : i32
        %dma_wait3A_420 = arith.constant 0 : i32
        %dma_wait3A_421 = tpu.memref_slice %arg4[%add3A_411, %dma_wait3A_419, %dma_wait3A_420] : memref<4096x200x64xf32, #tpu.memory_space<hbm>> -> memref<1x200x64xf32, #tpu.memory_space<hbm>>
        %dma_wait3A_422 = tpu.memref_squeeze %dma_wait3A_421 : memref<1x200x64xf32, #tpu.memory_space<hbm>> -> memref<200x64xf32, #tpu.memory_space<hbm>>
        tpu.wait_dma2 semaphore(%dma_wait3A_418 : memref<!tpu.dma_semaphore, #tpu.memory_space<semaphore_mem>>) src(%arg10 : memref<200x64xf32, #tpu.memory_space<vmem>>) dst(%dma_wait3A_422 : memref<200x64xf32, #tpu.memory_space<hbm>>)
      } else {
      }
      %scan3A_327 = arith.constant 0 : i32
      %scan3A_328 = arith.constant 0 : i32
      %scan3A_329 = arith.constant 200 : i32
      %scan3A_330 = arith.addi %scan3A_328, %scan3A_329 : i32
      %scan3A_331 = arith.constant 1 : i32
      scf.for %scan3A_410 = %scan3A_328 to %scan3A_330 step %scan3A_331  : i32 {
        %get3A = arith.index_cast %scan3A_410 : i32 to index
        %get3A_411 = arith.constant 0 : index
        %get3A_412 = tpu.vector_load %arg7[%get3A, %get3A_411] {strides = array<i32>} : memref<200x64xf32, #tpu.memory_space<vmem>>, vector<1x16xf32>,
        %get3A_413 = vector.shape_cast %get3A_412 : vector<1x16xf32> to vector<16xf32>
        %mul3A_414 = arith.constant 8.000000e+00 : f32
        %mul3A_415 = vector.broadcast %mul3A_414 : f32 to vector<16xf32>
        %mul3A_416 = arith.mulf %get3A_413, %mul3A_415 : vector<16xf32>
        %swap3A = arith.index_cast %scan3A_410 : i32 to index
        %swap3A_417 = arith.constant 0 : index
        %swap3A_418 = tpu.vector_load %arg10[%swap3A, %swap3A_417] {strides = array<i32>} : memref<200x64xf32, #tpu.memory_space<vmem>>, vector<1x16xf32>,
        %swap3A_419 = vector.shape_cast %swap3A_418 : vector<1x16xf32> to vector<16xf32>
        %swap3A_420 = vector.shape_cast %mul3A_416 : vector<16xf32> to vector<1x16xf32>
        tpu.vector_store %arg10[%swap3A, %swap3A_417], %swap3A_420 {strides = array<i32>} : memref<200x64xf32, #tpu.memory_space<vmem>>, vector<1x16xf32>,
        %get3A_421 = arith.index_cast %scan3A_410 : i32 to index
        %get3A_422 = arith.constant 16 : index
        %get3A_423 = tpu.vector_load %arg7[%get3A_421, %get3A_422] {strides = array<i32>} : memref<200x64xf32, #tpu.memory_space<vmem>>, vector<1x16xf32>,
        %get3A_424 = vector.shape_cast %get3A_423 : vector<1x16xf32> to vector<16xf32>
        %mul3A_425 = arith.constant 8.000000e+00 : f32
        %mul3A_426 = vector.broadcast %mul3A_425 : f32 to vector<16xf32>
        %mul3A_427 = arith.mulf %get3A_424, %mul3A_426 : vector<16xf32>
        %swap3A_428 = arith.index_cast %scan3A_410 : i32 to index
        %swap3A_429 = arith.constant 16 : index
        %swap3A_430 = tpu.vector_load %arg10[%swap3A_428, %swap3A_429] {strides = array<i32>} : memref<200x64xf32, #tpu.memory_space<vmem>>, vector<1x16xf32>,
        %swap3A_431 = vector.shape_cast %swap3A_430 : vector<1x16xf32> to vector<16xf32>
        %swap3A_432 = vector.shape_cast %mul3A_427 : vector<16xf32> to vector<1x16xf32>
        tpu.vector_store %arg10[%swap3A_428, %swap3A_429], %swap3A_432 {strides = array<i32>} : memref<200x64xf32, #tpu.memory_space<vmem>>, vector<1x16xf32>,
        %get3A_433 = arith.index_cast %scan3A_410 : i32 to index
        %get3A_434 = arith.constant 32 : index
        %get3A_435 = tpu.vector_load %arg7[%get3A_433, %get3A_434] {strides = array<i32>} : memref<200x64xf32, #tpu.memory_space<vmem>>, vector<1x16xf32>,
        %get3A_436 = vector.shape_cast %get3A_435 : vector<1x16xf32> to vector<16xf32>
        %mul3A_437 = arith.constant 8.000000e+00 : f32
        %mul3A_438 = vector.broadcast %mul3A_437 : f32 to vector<16xf32>
        %mul3A_439 = arith.mulf %get3A_436, %mul3A_438 : vector<16xf32>
        %swap3A_440 = arith.index_cast %scan3A_410 : i32 to index
        %swap3A_441 = arith.constant 32 : index
        %swap3A_442 = tpu.vector_load %arg10[%swap3A_440, %swap3A_441] {strides = array<i32>} : memref<200x64xf32, #tpu.memory_space<vmem>>, vector<1x16xf32>,
        %swap3A_443 = vector.shape_cast %swap3A_442 : vector<1x16xf32> to vector<16xf32>
        %swap3A_444 = vector.shape_cast %mul3A_439 : vector<16xf32> to vector<1x16xf32>
        tpu.vector_store %arg10[%swap3A_440, %swap3A_441], %swap3A_444 {strides = array<i32>} : memref<200x64xf32, #tpu.memory_space<vmem>>, vector<1x16xf32>,
        %get3A_445 = arith.index_cast %scan3A_410 : i32 to index
        %get3A_446 = arith.constant 48 : index
        %get3A_447 = tpu.vector_load %arg7[%get3A_445, %get3A_446] {strides = array<i32>} : memref<200x64xf32, #tpu.memory_space<vmem>>, vector<1x16xf32>,
        %get3A_448 = vector.shape_cast %get3A_447 : vector<1x16xf32> to vector<16xf32>
        %mul3A_449 = arith.constant 8.000000e+00 : f32
        %mul3A_450 = vector.broadcast %mul3A_449 : f32 to vector<16xf32>
        %mul3A_451 = arith.mulf %get3A_448, %mul3A_450 : vector<16xf32>
        %swap3A_452 = arith.index_cast %scan3A_410 : i32 to index
        %swap3A_453 = arith.constant 48 : index
        %swap3A_454 = tpu.vector_load %arg10[%swap3A_452, %swap3A_453] {strides = array<i32>} : memref<200x64xf32, #tpu.memory_space<vmem>>, vector<1x16xf32>,
        %swap3A_455 = vector.shape_cast %swap3A_454 : vector<1x16xf32> to vector<16xf32>
        %swap3A_456 = vector.shape_cast %mul3A_451 : vector<16xf32> to vector<1x16xf32>
        tpu.vector_store %arg10[%swap3A_452, %swap3A_453], %swap3A_456 {strides = array<i32>} : memref<200x64xf32, #tpu.memory_space<vmem>>, vector<1x16xf32>,
      }
      %scan3A_332 = arith.constant 200 : i32
      %add3A_333 = arith.addi %mul3A_2, %add3A_297 : i32
      %dma_start3A_334 = arith.constant 1 : i32
      %dma_start3A_335 = arith.constant 0 : i32
      %dma_start3A_336 = arith.constant 0 : i32
      %dma_start3A_337 = tpu.memref_slice %arg4[%add3A_333, %dma_start3A_335, %dma_start3A_336] : memref<4096x200x64xf32, #tpu.memory_space<hbm>> -> memref<1x200x64xf32, #tpu.memory_space<hbm>>
      %dma_start3A_338 = tpu.memref_squeeze %dma_start3A_337 : memref<1x200x64xf32, #tpu.memory_space<hbm>> -> memref<200x64xf32, #tpu.memory_space<hbm>>
      %dma_start3A_339 = tpu.memref_slice %arg13[%dma_start3A_334] : memref<3x!tpu.dma_semaphore, #tpu.memory_space<semaphore_mem>> -> memref<1x!tpu.dma_semaphore, #tpu.memory_space<semaphore_mem>>
      %dma_start3A_340 = tpu.memref_squeeze %dma_start3A_339 : memref<1x!tpu.dma_semaphore, #tpu.memory_space<semaphore_mem>> -> memref<!tpu.dma_semaphore, #tpu.memory_space<semaphore_mem>>
      %dma_start3A_341 = arith.constant 0 : i32
      %dma_start3A_342 = arith.constant 0 : i32
      %dma_start3A_343 = tpu.memref_slice %arg4[%add3A_333, %dma_start3A_341, %dma_start3A_342] : memref<4096x200x64xf32, #tpu.memory_space<hbm>> -> memref<1x200x64xf32, #tpu.memory_space<hbm>>
      %dma_start3A_344 = tpu.memref_squeeze %dma_start3A_343 : memref<1x200x64xf32, #tpu.memory_space<hbm>> -> memref<200x64xf32, #tpu.memory_space<hbm>>
      tpu.enqueue_dma source(%arg10 : memref<200x64xf32, #tpu.memory_space<vmem>>) target(%dma_start3A_344 : memref<200x64xf32, #tpu.memory_space<hbm>>) target_semaphore(%dma_start3A_340 : memref<!tpu.dma_semaphore, #tpu.memory_space<semaphore_mem>>)
      %add3A_345 = arith.constant 3 : i32
      %add3A_346 = arith.addi %add3A_297, %add3A_345 : i32
      %lt3A_347 = arith.constant 128 : i32
      %lt3A_348 = arith.cmpi slt, %add3A_346, %lt3A_347 : i32
      %convert_element_type3A_349 = arith.extui %lt3A_348 : i1 to i32
      %cond3A_350 = arith.constant 0 : i32
      %cond3A_351 = arith.cmpi ne, %convert_element_type3A_349, %cond3A_350 : i32
      scf.if %cond3A_351 {
        %add3A_410 = arith.constant 3 : i32
        %add3A_411 = arith.addi %add3A_297, %add3A_410 : i32
        %dma_start3A_412 = arith.constant 1 : i32
        %dma_start3A_413 = arith.constant 0 : i32
        %dma_start3A_414 = arith.constant 0 : i32
        %dma_start3A_415 = tpu.memref_slice %arg7[%dma_start3A_413, %dma_start3A_414] : memref<200x64xf32, #tpu.memory_space<vmem>> -> memref<128x64xf32, #tpu.memory_space<vmem>>
        %dma_start3A_416 = arith.constant 0 : i32
        %dma_start3A_417 = tpu.memref_slice %arg5[%add3A_411, %dma_start3A_416] : memref<128x200xi32, #tpu.memory_space<vmem>> -> memref<1x128xi32, #tpu.memory_space<vmem>>
        %dma_start3A_418 = tpu.memref_squeeze %dma_start3A_417 : memref<1x128xi32, #tpu.memory_space<vmem>> -> memref<128xi32, #tpu.memory_space<vmem>>
        %dma_start3A_419 = arith.constant 0 : i32
        %dma_start3A_420 = arith.constant 0 : i32
        %dma_start3A_421 = tpu.memref_slice %arg2[%dma_start3A_419, %dma_start3A_420] : memref<1000000x64xf32, #tpu.memory_space<hbm>> -> memref<1000000x64xf32, #tpu.memory_space<hbm>>
        %dma_start3A_422 = tpu.memref_slice %arg12[%dma_start3A_412] : memref<3x!tpu.dma_semaphore, #tpu.memory_space<semaphore_mem>> -> memref<1x!tpu.dma_semaphore, #tpu.memory_space<semaphore_mem>>
        %dma_start3A_423 = tpu.memref_squeeze %dma_start3A_422 : memref<1x!tpu.dma_semaphore, #tpu.memory_space<semaphore_mem>> -> memref<!tpu.dma_semaphore, #tpu.memory_space<semaphore_mem>>
        tpu.enqueue_indirect_dma source(%dma_start3A_421 : memref<1000000x64xf32, #tpu.memory_space<hbm>>) target(%dma_start3A_415 : memref<128x64xf32, #tpu.memory_space<vmem>>) offsets(%dma_start3A_418 : memref<128xi32, #tpu.memory_space<vmem>>) semaphore(%dma_start3A_423 : memref<!tpu.dma_semaphore, #tpu.memory_space<semaphore_mem>>)
        %dma_start3A_424 = arith.constant 1 : i32
        %dma_start3A_425 = arith.constant 128 : i32
        %dma_start3A_426 = arith.constant 0 : i32
        %dma_start3A_427 = tpu.memref_slice %arg7[%dma_start3A_425, %dma_start3A_426] : memref<200x64xf32, #tpu.memory_space<vmem>> -> memref<72x64xf32, #tpu.memory_space<vmem>>
        %dma_start3A_428 = arith.constant 128 : i32
        %dma_start3A_429 = tpu.memref_slice %arg5[%add3A_411, %dma_start3A_428] : memref<128x200xi32, #tpu.memory_space<vmem>> -> memref<1x72xi32, #tpu.memory_space<vmem>>
        %dma_start3A_430 = tpu.memref_squeeze %dma_start3A_429 : memref<1x72xi32, #tpu.memory_space<vmem>> -> memref<72xi32, #tpu.memory_space<vmem>>
        %dma_start3A_431 = arith.constant 0 : i32
        %dma_start3A_432 = arith.constant 0 : i32
        %dma_start3A_433 = tpu.memref_slice %arg2[%dma_start3A_431, %dma_start3A_432] : memref<1000000x64xf32, #tpu.memory_space<hbm>> -> memref<1000000x64xf32, #tpu.memory_space<hbm>>
        %dma_start3A_434 = tpu.memref_slice %arg12[%dma_start3A_424] : memref<3x!tpu.dma_semaphore, #tpu.memory_space<semaphore_mem>> -> memref<1x!tpu.dma_semaphore, #tpu.memory_space<semaphore_mem>>
        %dma_start3A_435 = tpu.memref_squeeze %dma_start3A_434 : memref<1x!tpu.dma_semaphore, #tpu.memory_space<semaphore_mem>> -> memref<!tpu.dma_semaphore, #tpu.memory_space<semaphore_mem>>
        tpu.enqueue_indirect_dma source(%dma_start3A_433 : memref<1000000x64xf32, #tpu.memory_space<hbm>>) target(%dma_start3A_427 : memref<72x64xf32, #tpu.memory_space<vmem>>) offsets(%dma_start3A_430 : memref<72xi32, #tpu.memory_space<vmem>>) semaphore(%dma_start3A_435 : memref<!tpu.dma_semaphore, #tpu.memory_space<semaphore_mem>>)
      } else {
      }
      %mul3A_352 = arith.constant 3 : i32
      %mul3A_353 = arith.muli %scan3A_239, %mul3A_352 : i32
      %add3A_354 = arith.constant 2 : i32
      %add3A_355 = arith.addi %mul3A_353, %add3A_354 : i32
      %dma_wait3A_356 = arith.constant 2 : i32
      %dma_wait3A_357 = arith.constant 0 : i32
      %dma_wait3A_358 = arith.constant 0 : i32
      %dma_wait3A_359 = tpu.memref_slice %arg8[%dma_wait3A_357, %dma_wait3A_358] : memref<200x64xf32, #tpu.memory_space<vmem>> -> memref<128x64xf32, #tpu.memory_space<vmem>>
      %dma_wait3A_360 = arith.constant 0 : i32
      %dma_wait3A_361 = tpu.memref_slice %arg5[%add3A_355, %dma_wait3A_360] : memref<128x200xi32, #tpu.memory_space<vmem>> -> memref<1x128xi32, #tpu.memory_space<vmem>>
      %dma_wait3A_362 = tpu.memref_squeeze %dma_wait3A_361 : memref<1x128xi32, #tpu.memory_space<vmem>> -> memref<128xi32, #tpu.memory_space<vmem>>
      %dma_wait3A_363 = arith.constant 0 : i32
      %dma_wait3A_364 = arith.constant 0 : i32
      %dma_wait3A_365 = tpu.memref_slice %arg2[%dma_wait3A_363, %dma_wait3A_364] : memref<1000000x64xf32, #tpu.memory_space<hbm>> -> memref<1000000x64xf32, #tpu.memory_space<hbm>>
      %dma_wait3A_366 = tpu.memref_slice %arg12[%dma_wait3A_356] : memref<3x!tpu.dma_semaphore, #tpu.memory_space<semaphore_mem>> -> memref<1x!tpu.dma_semaphore, #tpu.memory_space<semaphore_mem>>
      %dma_wait3A_367 = tpu.memref_squeeze %dma_wait3A_366 : memref<1x!tpu.dma_semaphore, #tpu.memory_space<semaphore_mem>> -> memref<!tpu.dma_semaphore, #tpu.memory_space<semaphore_mem>>
      tpu.wait_indirect_dma semaphore(%dma_wait3A_367 : memref<!tpu.dma_semaphore, #tpu.memory_space<semaphore_mem>>) src(%dma_wait3A_365 : memref<1000000x64xf32, #tpu.memory_space<hbm>>) dst(%dma_wait3A_359 : memref<128x64xf32, #tpu.memory_space<vmem>>)
      %dma_wait3A_368 = arith.constant 2 : i32
      %dma_wait3A_369 = arith.constant 128 : i32
      %dma_wait3A_370 = arith.constant 0 : i32
      %dma_wait3A_371 = tpu.memref_slice %arg8[%dma_wait3A_369, %dma_wait3A_370] : memref<200x64xf32, #tpu.memory_space<vmem>> -> memref<72x64xf32, #tpu.memory_space<vmem>>
      %dma_wait3A_372 = arith.constant 128 : i32
      %dma_wait3A_373 = tpu.memref_slice %arg5[%add3A_355, %dma_wait3A_372] : memref<128x200xi32, #tpu.memory_space<vmem>> -> memref<1x72xi32, #tpu.memory_space<vmem>>
      %dma_wait3A_374 = tpu.memref_squeeze %dma_wait3A_373 : memref<1x72xi32, #tpu.memory_space<vmem>> -> memref<72xi32, #tpu.memory_space<vmem>>
      %dma_wait3A_375 = arith.constant 0 : i32
      %dma_wait3A_376 = arith.constant 0 : i32
      %dma_wait3A_377 = tpu.memref_slice %arg2[%dma_wait3A_375, %dma_wait3A_376] : memref<1000000x64xf32, #tpu.memory_space<hbm>> -> memref<1000000x64xf32, #tpu.memory_space<hbm>>
      %dma_wait3A_378 = tpu.memref_slice %arg12[%dma_wait3A_368] : memref<3x!tpu.dma_semaphore, #tpu.memory_space<semaphore_mem>> -> memref<1x!tpu.dma_semaphore, #tpu.memory_space<semaphore_mem>>
      %dma_wait3A_379 = tpu.memref_squeeze %dma_wait3A_378 : memref<1x!tpu.dma_semaphore, #tpu.memory_space<semaphore_mem>> -> memref<!tpu.dma_semaphore, #tpu.memory_space<semaphore_mem>>
      tpu.wait_indirect_dma semaphore(%dma_wait3A_379 : memref<!tpu.dma_semaphore, #tpu.memory_space<semaphore_mem>>) src(%dma_wait3A_377 : memref<1000000x64xf32, #tpu.memory_space<hbm>>) dst(%dma_wait3A_371 : memref<72x64xf32, #tpu.memory_space<vmem>>)
      %ge3A_380 = arith.constant 3 : i32
      %ge3A_381 = arith.cmpi sge, %add3A_355, %ge3A_380 : i32
      %convert_element_type3A_382 = arith.extui %ge3A_381 : i1 to i32
      %cond3A_383 = arith.constant 0 : i32
      %cond3A_384 = arith.cmpi ne, %convert_element_type3A_382, %cond3A_383 : i32
      scf.if %cond3A_384 {
        %sub3A = arith.constant 3 : i32
        %sub3A_410 = arith.subi %add3A_355, %sub3A : i32
        %add3A_411 = arith.addi %mul3A_2, %sub3A_410 : i32
        %dma_wait3A_412 = arith.constant 2 : i32
        %dma_wait3A_413 = arith.constant 0 : i32
        %dma_wait3A_414 = arith.constant 0 : i32
        %dma_wait3A_415 = tpu.memref_slice %arg4[%add3A_411, %dma_wait3A_413, %dma_wait3A_414] : memref<4096x200x64xf32, #tpu.memory_space<hbm>> -> memref<1x200x64xf32, #tpu.memory_space<hbm>>
        %dma_wait3A_416 = tpu.memref_squeeze %dma_wait3A_415 : memref<1x200x64xf32, #tpu.memory_space<hbm>> -> memref<200x64xf32, #tpu.memory_space<hbm>>
        %dma_wait3A_417 = tpu.memref_slice %arg13[%dma_wait3A_412] : memref<3x!tpu.dma_semaphore, #tpu.memory_space<semaphore_mem>> -> memref<1x!tpu.dma_semaphore, #tpu.memory_space<semaphore_mem>>
        %dma_wait3A_418 = tpu.memref_squeeze %dma_wait3A_417 : memref<1x!tpu.dma_semaphore, #tpu.memory_space<semaphore_mem>> -> memref<!tpu.dma_semaphore, #tpu.memory_space<semaphore_mem>>
        %dma_wait3A_419 = arith.constant 0 : i32
        %dma_wait3A_420 = arith.constant 0 : i32
        %dma_wait3A_421 = tpu.memref_slice %arg4[%add3A_411, %dma_wait3A_419, %dma_wait3A_420] : memref<4096x200x64xf32, #tpu.memory_space<hbm>> -> memref<1x200x64xf32, #tpu.memory_space<hbm>>
        %dma_wait3A_422 = tpu.memref_squeeze %dma_wait3A_421 : memref<1x200x64xf32, #tpu.memory_space<hbm>> -> memref<200x64xf32, #tpu.memory_space<hbm>>
        tpu.wait_dma2 semaphore(%dma_wait3A_418 : memref<!tpu.dma_semaphore, #tpu.memory_space<semaphore_mem>>) src(%arg11 : memref<200x64xf32, #tpu.memory_space<vmem>>) dst(%dma_wait3A_422 : memref<200x64xf32, #tpu.memory_space<hbm>>)
      } else {
      }
      %scan3A_385 = arith.constant 0 : i32
      %scan3A_386 = arith.constant 0 : i32
      %scan3A_387 = arith.constant 200 : i32
      %scan3A_388 = arith.addi %scan3A_386, %scan3A_387 : i32
      %scan3A_389 = arith.constant 1 : i32
      scf.for %scan3A_410 = %scan3A_386 to %scan3A_388 step %scan3A_389  : i32 {
        %get3A = arith.index_cast %scan3A_410 : i32 to index
        %get3A_411 = arith.constant 0 : index
        %get3A_412 = tpu.vector_load %arg8[%get3A, %get3A_411] {strides = array<i32>} : memref<200x64xf32, #tpu.memory_space<vmem>>, vector<1x16xf32>,
        %get3A_413 = vector.shape_cast %get3A_412 : vector<1x16xf32> to vector<16xf32>
        %mul3A_414 = arith.constant 8.000000e+00 : f32
        %mul3A_415 = vector.broadcast %mul3A_414 : f32 to vector<16xf32>
        %mul3A_416 = arith.mulf %get3A_413, %mul3A_415 : vector<16xf32>
        %swap3A = arith.index_cast %scan3A_410 : i32 to index
        %swap3A_417 = arith.constant 0 : index
        %swap3A_418 = tpu.vector_load %arg11[%swap3A, %swap3A_417] {strides = array<i32>} : memref<200x64xf32, #tpu.memory_space<vmem>>, vector<1x16xf32>,
        %swap3A_419 = vector.shape_cast %swap3A_418 : vector<1x16xf32> to vector<16xf32>
        %swap3A_420 = vector.shape_cast %mul3A_416 : vector<16xf32> to vector<1x16xf32>
        tpu.vector_store %arg11[%swap3A, %swap3A_417], %swap3A_420 {strides = array<i32>} : memref<200x64xf32, #tpu.memory_space<vmem>>, vector<1x16xf32>,
        %get3A_421 = arith.index_cast %scan3A_410 : i32 to index
        %get3A_422 = arith.constant 16 : index
        %get3A_423 = tpu.vector_load %arg8[%get3A_421, %get3A_422] {strides = array<i32>} : memref<200x64xf32, #tpu.memory_space<vmem>>, vector<1x16xf32>,
        %get3A_424 = vector.shape_cast %get3A_423 : vector<1x16xf32> to vector<16xf32>
        %mul3A_425 = arith.constant 8.000000e+00 : f32
        %mul3A_426 = vector.broadcast %mul3A_425 : f32 to vector<16xf32>
        %mul3A_427 = arith.mulf %get3A_424, %mul3A_426 : vector<16xf32>
        %swap3A_428 = arith.index_cast %scan3A_410 : i32 to index
        %swap3A_429 = arith.constant 16 : index
        %swap3A_430 = tpu.vector_load %arg11[%swap3A_428, %swap3A_429] {strides = array<i32>} : memref<200x64xf32, #tpu.memory_space<vmem>>, vector<1x16xf32>,
        %swap3A_431 = vector.shape_cast %swap3A_430 : vector<1x16xf32> to vector<16xf32>
        %swap3A_432 = vector.shape_cast %mul3A_427 : vector<16xf32> to vector<1x16xf32>
        tpu.vector_store %arg11[%swap3A_428, %swap3A_429], %swap3A_432 {strides = array<i32>} : memref<200x64xf32, #tpu.memory_space<vmem>>, vector<1x16xf32>,
        %get3A_433 = arith.index_cast %scan3A_410 : i32 to index
        %get3A_434 = arith.constant 32 : index
        %get3A_435 = tpu.vector_load %arg8[%get3A_433, %get3A_434] {strides = array<i32>} : memref<200x64xf32, #tpu.memory_space<vmem>>, vector<1x16xf32>,
        %get3A_436 = vector.shape_cast %get3A_435 : vector<1x16xf32> to vector<16xf32>
        %mul3A_437 = arith.constant 8.000000e+00 : f32
        %mul3A_438 = vector.broadcast %mul3A_437 : f32 to vector<16xf32>
        %mul3A_439 = arith.mulf %get3A_436, %mul3A_438 : vector<16xf32>
        %swap3A_440 = arith.index_cast %scan3A_410 : i32 to index
        %swap3A_441 = arith.constant 32 : index
        %swap3A_442 = tpu.vector_load %arg11[%swap3A_440, %swap3A_441] {strides = array<i32>} : memref<200x64xf32, #tpu.memory_space<vmem>>, vector<1x16xf32>,
        %swap3A_443 = vector.shape_cast %swap3A_442 : vector<1x16xf32> to vector<16xf32>
        %swap3A_444 = vector.shape_cast %mul3A_439 : vector<16xf32> to vector<1x16xf32>
        tpu.vector_store %arg11[%swap3A_440, %swap3A_441], %swap3A_444 {strides = array<i32>} : memref<200x64xf32, #tpu.memory_space<vmem>>, vector<1x16xf32>,
        %get3A_445 = arith.index_cast %scan3A_410 : i32 to index
        %get3A_446 = arith.constant 48 : index
        %get3A_447 = tpu.vector_load %arg8[%get3A_445, %get3A_446] {strides = array<i32>} : memref<200x64xf32, #tpu.memory_space<vmem>>, vector<1x16xf32>,
        %get3A_448 = vector.shape_cast %get3A_447 : vector<1x16xf32> to vector<16xf32>
        %mul3A_449 = arith.constant 8.000000e+00 : f32
        %mul3A_450 = vector.broadcast %mul3A_449 : f32 to vector<16xf32>
        %mul3A_451 = arith.mulf %get3A_448, %mul3A_450 : vector<16xf32>
        %swap3A_452 = arith.index_cast %scan3A_410 : i32 to index
        %swap3A_453 = arith.constant 48 : index
        %swap3A_454 = tpu.vector_load %arg11[%swap3A_452, %swap3A_453] {strides = array<i32>} : memref<200x64xf32, #tpu.memory_space<vmem>>, vector<1x16xf32>,
        %swap3A_455 = vector.shape_cast %swap3A_454 : vector<1x16xf32> to vector<16xf32>
        %swap3A_456 = vector.shape_cast %mul3A_451 : vector<16xf32> to vector<1x16xf32>
        tpu.vector_store %arg11[%swap3A_452, %swap3A_453], %swap3A_456 {strides = array<i32>} : memref<200x64xf32, #tpu.memory_space<vmem>>, vector<1x16xf32>,
      }
      %scan3A_390 = arith.constant 200 : i32
      %add3A_391 = arith.addi %mul3A_2, %add3A_355 : i32
      %dma_start3A_392 = arith.constant 2 : i32
      %dma_start3A_393 = arith.constant 0 : i32
      %dma_start3A_394 = arith.constant 0 : i32
      %dma_start3A_395 = tpu.memref_slice %arg4[%add3A_391, %dma_start3A_393, %dma_start3A_394] : memref<4096x200x64xf32, #tpu.memory_space<hbm>> -> memref<1x200x64xf32, #tpu.memory_space<hbm>>
      %dma_start3A_396 = tpu.memref_squeeze %dma_start3A_395 : memref<1x200x64xf32, #tpu.memory_space<hbm>> -> memref<200x64xf32, #tpu.memory_space<hbm>>
      %dma_start3A_397 = tpu.memref_slice %arg13[%dma_start3A_392] : memref<3x!tpu.dma_semaphore, #tpu.memory_space<semaphore_mem>> -> memref<1x!tpu.dma_semaphore, #tpu.memory_space<semaphore_mem>>
      %dma_start3A_398 = tpu.memref_squeeze %dma_start3A_397 : memref<1x!tpu.dma_semaphore, #tpu.memory_space<semaphore_mem>> -> memref<!tpu.dma_semaphore, #tpu.memory_space<semaphore_mem>>
      %dma_start3A_399 = arith.constant 0 : i32
      %dma_start3A_400 = arith.constant 0 : i32
      %dma_start3A_401 = tpu.memref_slice %arg4[%add3A_391, %dma_start3A_399, %dma_start3A_400] : memref<4096x200x64xf32, #tpu.memory_space<hbm>> -> memref<1x200x64xf32, #tpu.memory_space<hbm>>
      %dma_start3A_402 = tpu.memref_squeeze %dma_start3A_401 : memref<1x200x64xf32, #tpu.memory_space<hbm>> -> memref<200x64xf32, #tpu.memory_space<hbm>>
      tpu.enqueue_dma source(%arg11 : memref<200x64xf32, #tpu.memory_space<vmem>>) target(%dma_start3A_402 : memref<200x64xf32, #tpu.memory_space<hbm>>) target_semaphore(%dma_start3A_398 : memref<!tpu.dma_semaphore, #tpu.memory_space<semaphore_mem>>)
      %add3A_403 = arith.constant 3 : i32
      %add3A_404 = arith.addi %add3A_355, %add3A_403 : i32
      %lt3A_405 = arith.constant 128 : i32
      %lt3A_406 = arith.cmpi slt, %add3A_404, %lt3A_405 : i32
      %convert_element_type3A_407 = arith.extui %lt3A_406 : i1 to i32
      %cond3A_408 = arith.constant 0 : i32
      %cond3A_409 = arith.cmpi ne, %convert_element_type3A_407, %cond3A_408 : i32
      scf.if %cond3A_409 {
        %add3A_410 = arith.constant 3 : i32
        %add3A_411 = arith.addi %add3A_355, %add3A_410 : i32
        %dma_start3A_412 = arith.constant 2 : i32
        %dma_start3A_413 = arith.constant 0 : i32
        %dma_start3A_414 = arith.constant 0 : i32
        %dma_start3A_415 = tpu.memref_slice %arg8[%dma_start3A_413, %dma_start3A_414] : memref<200x64xf32, #tpu.memory_space<vmem>> -> memref<128x64xf32, #tpu.memory_space<vmem>>
        %dma_start3A_416 = arith.constant 0 : i32
        %dma_start3A_417 = tpu.memref_slice %arg5[%add3A_411, %dma_start3A_416] : memref<128x200xi32, #tpu.memory_space<vmem>> -> memref<1x128xi32, #tpu.memory_space<vmem>>
        %dma_start3A_418 = tpu.memref_squeeze %dma_start3A_417 : memref<1x128xi32, #tpu.memory_space<vmem>> -> memref<128xi32, #tpu.memory_space<vmem>>
        %dma_start3A_419 = arith.constant 0 : i32
        %dma_start3A_420 = arith.constant 0 : i32
        %dma_start3A_421 = tpu.memref_slice %arg2[%dma_start3A_419, %dma_start3A_420] : memref<1000000x64xf32, #tpu.memory_space<hbm>> -> memref<1000000x64xf32, #tpu.memory_space<hbm>>
        %dma_start3A_422 = tpu.memref_slice %arg12[%dma_start3A_412] : memref<3x!tpu.dma_semaphore, #tpu.memory_space<semaphore_mem>> -> memref<1x!tpu.dma_semaphore, #tpu.memory_space<semaphore_mem>>
        %dma_start3A_423 = tpu.memref_squeeze %dma_start3A_422 : memref<1x!tpu.dma_semaphore, #tpu.memory_space<semaphore_mem>> -> memref<!tpu.dma_semaphore, #tpu.memory_space<semaphore_mem>>
        tpu.enqueue_indirect_dma source(%dma_start3A_421 : memref<1000000x64xf32, #tpu.memory_space<hbm>>) target(%dma_start3A_415 : memref<128x64xf32, #tpu.memory_space<vmem>>) offsets(%dma_start3A_418 : memref<128xi32, #tpu.memory_space<vmem>>) semaphore(%dma_start3A_423 : memref<!tpu.dma_semaphore, #tpu.memory_space<semaphore_mem>>)
        %dma_start3A_424 = arith.constant 2 : i32
        %dma_start3A_425 = arith.constant 128 : i32
        %dma_start3A_426 = arith.constant 0 : i32
        %dma_start3A_427 = tpu.memref_slice %arg8[%dma_start3A_425, %dma_start3A_426] : memref<200x64xf32, #tpu.memory_space<vmem>> -> memref<72x64xf32, #tpu.memory_space<vmem>>
        %dma_start3A_428 = arith.constant 128 : i32
        %dma_start3A_429 = tpu.memref_slice %arg5[%add3A_411, %dma_start3A_428] : memref<128x200xi32, #tpu.memory_space<vmem>> -> memref<1x72xi32, #tpu.memory_space<vmem>>
        %dma_start3A_430 = tpu.memref_squeeze %dma_start3A_429 : memref<1x72xi32, #tpu.memory_space<vmem>> -> memref<72xi32, #tpu.memory_space<vmem>>
        %dma_start3A_431 = arith.constant 0 : i32
        %dma_start3A_432 = arith.constant 0 : i32
        %dma_start3A_433 = tpu.memref_slice %arg2[%dma_start3A_431, %dma_start3A_432] : memref<1000000x64xf32, #tpu.memory_space<hbm>> -> memref<1000000x64xf32, #tpu.memory_space<hbm>>
        %dma_start3A_434 = tpu.memref_slice %arg12[%dma_start3A_424] : memref<3x!tpu.dma_semaphore, #tpu.memory_space<semaphore_mem>> -> memref<1x!tpu.dma_semaphore, #tpu.memory_space<semaphore_mem>>
        %dma_start3A_435 = tpu.memref_squeeze %dma_start3A_434 : memref<1x!tpu.dma_semaphore, #tpu.memory_space<semaphore_mem>> -> memref<!tpu.dma_semaphore, #tpu.memory_space<semaphore_mem>>
        tpu.enqueue_indirect_dma source(%dma_start3A_433 : memref<1000000x64xf32, #tpu.memory_space<hbm>>) target(%dma_start3A_427 : memref<72x64xf32, #tpu.memory_space<vmem>>) offsets(%dma_start3A_430 : memref<72xi32, #tpu.memory_space<vmem>>) semaphore(%dma_start3A_435 : memref<!tpu.dma_semaphore, #tpu.memory_space<semaphore_mem>>)
      } else {
      }
    }
    %scan3A_84 = arith.constant 42 : i32
    %dma_wait3A = arith.constant 126 : i32
    %dma_wait3A_85 = arith.constant 0 : i32
    %dma_wait3A_86 = arith.constant 0 : i32
    %dma_wait3A_87 = arith.constant 0 : i32
    %dma_wait3A_88 = tpu.memref_slice %arg6[%dma_wait3A_86, %dma_wait3A_87] : memref<200x64xf32, #tpu.memory_space<vmem>> -> memref<128x64xf32, #tpu.memory_space<vmem>>
    %dma_wait3A_89 = arith.constant 0 : i32
    %dma_wait3A_90 = tpu.memref_slice %arg5[%dma_wait3A, %dma_wait3A_89] : memref<128x200xi32, #tpu.memory_space<vmem>> -> memref<1x128xi32, #tpu.memory_space<vmem>>
    %dma_wait3A_91 = tpu.memref_squeeze %dma_wait3A_90 : memref<1x128xi32, #tpu.memory_space<vmem>> -> memref<128xi32, #tpu.memory_space<vmem>>
    %dma_wait3A_92 = arith.constant 0 : i32
    %dma_wait3A_93 = arith.constant 0 : i32
    %dma_wait3A_94 = tpu.memref_slice %arg2[%dma_wait3A_92, %dma_wait3A_93] : memref<1000000x64xf32, #tpu.memory_space<hbm>> -> memref<1000000x64xf32, #tpu.memory_space<hbm>>
    %dma_wait3A_95 = tpu.memref_slice %arg12[%dma_wait3A_85] : memref<3x!tpu.dma_semaphore, #tpu.memory_space<semaphore_mem>> -> memref<1x!tpu.dma_semaphore, #tpu.memory_space<semaphore_mem>>
    %dma_wait3A_96 = tpu.memref_squeeze %dma_wait3A_95 : memref<1x!tpu.dma_semaphore, #tpu.memory_space<semaphore_mem>> -> memref<!tpu.dma_semaphore, #tpu.memory_space<semaphore_mem>>
    tpu.wait_indirect_dma semaphore(%dma_wait3A_96 : memref<!tpu.dma_semaphore, #tpu.memory_space<semaphore_mem>>) src(%dma_wait3A_94 : memref<1000000x64xf32, #tpu.memory_space<hbm>>) dst(%dma_wait3A_88 : memref<128x64xf32, #tpu.memory_space<vmem>>)
    %dma_wait3A_97 = arith.constant 126 : i32
    %dma_wait3A_98 = arith.constant 0 : i32
    %dma_wait3A_99 = arith.constant 128 : i32
    %dma_wait3A_100 = arith.constant 0 : i32
    %dma_wait3A_101 = tpu.memref_slice %arg6[%dma_wait3A_99, %dma_wait3A_100] : memref<200x64xf32, #tpu.memory_space<vmem>> -> memref<72x64xf32, #tpu.memory_space<vmem>>
    %dma_wait3A_102 = arith.constant 128 : i32
    %dma_wait3A_103 = tpu.memref_slice %arg5[%dma_wait3A_97, %dma_wait3A_102] : memref<128x200xi32, #tpu.memory_space<vmem>> -> memref<1x72xi32, #tpu.memory_space<vmem>>
    %dma_wait3A_104 = tpu.memref_squeeze %dma_wait3A_103 : memref<1x72xi32, #tpu.memory_space<vmem>> -> memref<72xi32, #tpu.memory_space<vmem>>
    %dma_wait3A_105 = arith.constant 0 : i32
    %dma_wait3A_106 = arith.constant 0 : i32
    %dma_wait3A_107 = tpu.memref_slice %arg2[%dma_wait3A_105, %dma_wait3A_106] : memref<1000000x64xf32, #tpu.memory_space<hbm>> -> memref<1000000x64xf32, #tpu.memory_space<hbm>>
    %dma_wait3A_108 = tpu.memref_slice %arg12[%dma_wait3A_98] : memref<3x!tpu.dma_semaphore, #tpu.memory_space<semaphore_mem>> -> memref<1x!tpu.dma_semaphore, #tpu.memory_space<semaphore_mem>>
    %dma_wait3A_109 = tpu.memref_squeeze %dma_wait3A_108 : memref<1x!tpu.dma_semaphore, #tpu.memory_space<semaphore_mem>> -> memref<!tpu.dma_semaphore, #tpu.memory_space<semaphore_mem>>
    tpu.wait_indirect_dma semaphore(%dma_wait3A_109 : memref<!tpu.dma_semaphore, #tpu.memory_space<semaphore_mem>>) src(%dma_wait3A_107 : memref<1000000x64xf32, #tpu.memory_space<hbm>>) dst(%dma_wait3A_101 : memref<72x64xf32, #tpu.memory_space<vmem>>)
    %add3A_110 = arith.constant 123 : i32
    %add3A_111 = arith.addi %mul3A_2, %add3A_110 : i32
    %dma_wait3A_112 = arith.constant 0 : i32
    %dma_wait3A_113 = arith.constant 0 : i32
    %dma_wait3A_114 = arith.constant 0 : i32
    %dma_wait3A_115 = tpu.memref_slice %arg4[%add3A_111, %dma_wait3A_113, %dma_wait3A_114] : memref<4096x200x64xf32, #tpu.memory_space<hbm>> -> memref<1x200x64xf32, #tpu.memory_space<hbm>>
    %dma_wait3A_116 = tpu.memref_squeeze %dma_wait3A_115 : memref<1x200x64xf32, #tpu.memory_space<hbm>> -> memref<200x64xf32, #tpu.memory_space<hbm>>
    %dma_wait3A_117 = tpu.memref_slice %arg13[%dma_wait3A_112] : memref<3x!tpu.dma_semaphore, #tpu.memory_space<semaphore_mem>> -> memref<1x!tpu.dma_semaphore, #tpu.memory_space<semaphore_mem>>
    %dma_wait3A_118 = tpu.memref_squeeze %dma_wait3A_117 : memref<1x!tpu.dma_semaphore, #tpu.memory_space<semaphore_mem>> -> memref<!tpu.dma_semaphore, #tpu.memory_space<semaphore_mem>>
    %dma_wait3A_119 = arith.constant 0 : i32
    %dma_wait3A_120 = arith.constant 0 : i32
    %dma_wait3A_121 = tpu.memref_slice %arg4[%add3A_111, %dma_wait3A_119, %dma_wait3A_120] : memref<4096x200x64xf32, #tpu.memory_space<hbm>> -> memref<1x200x64xf32, #tpu.memory_space<hbm>>
    %dma_wait3A_122 = tpu.memref_squeeze %dma_wait3A_121 : memref<1x200x64xf32, #tpu.memory_space<hbm>> -> memref<200x64xf32, #tpu.memory_space<hbm>>
    tpu.wait_dma2 semaphore(%dma_wait3A_118 : memref<!tpu.dma_semaphore, #tpu.memory_space<semaphore_mem>>) src(%arg9 : memref<200x64xf32, #tpu.memory_space<vmem>>) dst(%dma_wait3A_122 : memref<200x64xf32, #tpu.memory_space<hbm>>)
    %scan3A_123 = arith.constant 0 : i32
    %scan3A_124 = arith.constant 0 : i32
    %scan3A_125 = arith.constant 200 : i32
    %scan3A_126 = arith.addi %scan3A_124, %scan3A_125 : i32
    %scan3A_127 = arith.constant 1 : i32
    scf.for %scan3A_239 = %scan3A_124 to %scan3A_126 step %scan3A_127  : i32 {
      %get3A = arith.index_cast %scan3A_239 : i32 to index
      %get3A_240 = arith.constant 0 : index
      %get3A_241 = tpu.vector_load %arg6[%get3A, %get3A_240] {strides = array<i32>} : memref<200x64xf32, #tpu.memory_space<vmem>>, vector<1x16xf32>,
      %get3A_242 = vector.shape_cast %get3A_241 : vector<1x16xf32> to vector<16xf32>
      %mul3A_243 = arith.constant 8.000000e+00 : f32
      %mul3A_244 = vector.broadcast %mul3A_243 : f32 to vector<16xf32>
      %mul3A_245 = arith.mulf %get3A_242, %mul3A_244 : vector<16xf32>
      %swap3A = arith.index_cast %scan3A_239 : i32 to index
      %swap3A_246 = arith.constant 0 : index
      %swap3A_247 = tpu.vector_load %arg9[%swap3A, %swap3A_246] {strides = array<i32>} : memref<200x64xf32, #tpu.memory_space<vmem>>, vector<1x16xf32>,
      %swap3A_248 = vector.shape_cast %swap3A_247 : vector<1x16xf32> to vector<16xf32>
      %swap3A_249 = vector.shape_cast %mul3A_245 : vector<16xf32> to vector<1x16xf32>
      tpu.vector_store %arg9[%swap3A, %swap3A_246], %swap3A_249 {strides = array<i32>} : memref<200x64xf32, #tpu.memory_space<vmem>>, vector<1x16xf32>,
      %get3A_250 = arith.index_cast %scan3A_239 : i32 to index
      %get3A_251 = arith.constant 16 : index
      %get3A_252 = tpu.vector_load %arg6[%get3A_250, %get3A_251] {strides = array<i32>} : memref<200x64xf32, #tpu.memory_space<vmem>>, vector<1x16xf32>,
      %get3A_253 = vector.shape_cast %get3A_252 : vector<1x16xf32> to vector<16xf32>
      %mul3A_254 = arith.constant 8.000000e+00 : f32
      %mul3A_255 = vector.broadcast %mul3A_254 : f32 to vector<16xf32>
      %mul3A_256 = arith.mulf %get3A_253, %mul3A_255 : vector<16xf32>
      %swap3A_257 = arith.index_cast %scan3A_239 : i32 to index
      %swap3A_258 = arith.constant 16 : index
      %swap3A_259 = tpu.vector_load %arg9[%swap3A_257, %swap3A_258] {strides = array<i32>} : memref<200x64xf32, #tpu.memory_space<vmem>>, vector<1x16xf32>,
      %swap3A_260 = vector.shape_cast %swap3A_259 : vector<1x16xf32> to vector<16xf32>
      %swap3A_261 = vector.shape_cast %mul3A_256 : vector<16xf32> to vector<1x16xf32>
      tpu.vector_store %arg9[%swap3A_257, %swap3A_258], %swap3A_261 {strides = array<i32>} : memref<200x64xf32, #tpu.memory_space<vmem>>, vector<1x16xf32>,
      %get3A_262 = arith.index_cast %scan3A_239 : i32 to index
      %get3A_263 = arith.constant 32 : index
      %get3A_264 = tpu.vector_load %arg6[%get3A_262, %get3A_263] {strides = array<i32>} : memref<200x64xf32, #tpu.memory_space<vmem>>, vector<1x16xf32>,
      %get3A_265 = vector.shape_cast %get3A_264 : vector<1x16xf32> to vector<16xf32>
      %mul3A_266 = arith.constant 8.000000e+00 : f32
      %mul3A_267 = vector.broadcast %mul3A_266 : f32 to vector<16xf32>
      %mul3A_268 = arith.mulf %get3A_265, %mul3A_267 : vector<16xf32>
      %swap3A_269 = arith.index_cast %scan3A_239 : i32 to index
      %swap3A_270 = arith.constant 32 : index
      %swap3A_271 = tpu.vector_load %arg9[%swap3A_269, %swap3A_270] {strides = array<i32>} : memref<200x64xf32, #tpu.memory_space<vmem>>, vector<1x16xf32>,
      %swap3A_272 = vector.shape_cast %swap3A_271 : vector<1x16xf32> to vector<16xf32>
      %swap3A_273 = vector.shape_cast %mul3A_268 : vector<16xf32> to vector<1x16xf32>
      tpu.vector_store %arg9[%swap3A_269, %swap3A_270], %swap3A_273 {strides = array<i32>} : memref<200x64xf32, #tpu.memory_space<vmem>>, vector<1x16xf32>,
      %get3A_274 = arith.index_cast %scan3A_239 : i32 to index
      %get3A_275 = arith.constant 48 : index
      %get3A_276 = tpu.vector_load %arg6[%get3A_274, %get3A_275] {strides = array<i32>} : memref<200x64xf32, #tpu.memory_space<vmem>>, vector<1x16xf32>,
      %get3A_277 = vector.shape_cast %get3A_276 : vector<1x16xf32> to vector<16xf32>
      %mul3A_278 = arith.constant 8.000000e+00 : f32
      %mul3A_279 = vector.broadcast %mul3A_278 : f32 to vector<16xf32>
      %mul3A_280 = arith.mulf %get3A_277, %mul3A_279 : vector<16xf32>
      %swap3A_281 = arith.index_cast %scan3A_239 : i32 to index
      %swap3A_282 = arith.constant 48 : index
      %swap3A_283 = tpu.vector_load %arg9[%swap3A_281, %swap3A_282] {strides = array<i32>} : memref<200x64xf32, #tpu.memory_space<vmem>>, vector<1x16xf32>,
      %swap3A_284 = vector.shape_cast %swap3A_283 : vector<1x16xf32> to vector<16xf32>
      %swap3A_285 = vector.shape_cast %mul3A_280 : vector<16xf32> to vector<1x16xf32>
      tpu.vector_store %arg9[%swap3A_281, %swap3A_282], %swap3A_285 {strides = array<i32>} : memref<200x64xf32, #tpu.memory_space<vmem>>, vector<1x16xf32>,
    }
    %scan3A_128 = arith.constant 200 : i32
    %add3A_129 = arith.constant 126 : i32
    %add3A_130 = arith.addi %mul3A_2, %add3A_129 : i32
    %dma_start3A_131 = arith.constant 0 : i32
    %dma_start3A_132 = arith.constant 0 : i32
    %dma_start3A_133 = arith.constant 0 : i32
    %dma_start3A_134 = tpu.memref_slice %arg4[%add3A_130, %dma_start3A_132, %dma_start3A_133] : memref<4096x200x64xf32, #tpu.memory_space<hbm>> -> memref<1x200x64xf32, #tpu.memory_space<hbm>>
    %dma_start3A_135 = tpu.memref_squeeze %dma_start3A_134 : memref<1x200x64xf32, #tpu.memory_space<hbm>> -> memref<200x64xf32, #tpu.memory_space<hbm>>
    %dma_start3A_136 = tpu.memref_slice %arg13[%dma_start3A_131] : memref<3x!tpu.dma_semaphore, #tpu.memory_space<semaphore_mem>> -> memref<1x!tpu.dma_semaphore, #tpu.memory_space<semaphore_mem>>
    %dma_start3A_137 = tpu.memref_squeeze %dma_start3A_136 : memref<1x!tpu.dma_semaphore, #tpu.memory_space<semaphore_mem>> -> memref<!tpu.dma_semaphore, #tpu.memory_space<semaphore_mem>>
    %dma_start3A_138 = arith.constant 0 : i32
    %dma_start3A_139 = arith.constant 0 : i32
    %dma_start3A_140 = tpu.memref_slice %arg4[%add3A_130, %dma_start3A_138, %dma_start3A_139] : memref<4096x200x64xf32, #tpu.memory_space<hbm>> -> memref<1x200x64xf32, #tpu.memory_space<hbm>>
    %dma_start3A_141 = tpu.memref_squeeze %dma_start3A_140 : memref<1x200x64xf32, #tpu.memory_space<hbm>> -> memref<200x64xf32, #tpu.memory_space<hbm>>
    tpu.enqueue_dma source(%arg9 : memref<200x64xf32, #tpu.memory_space<vmem>>) target(%dma_start3A_141 : memref<200x64xf32, #tpu.memory_space<hbm>>) target_semaphore(%dma_start3A_137 : memref<!tpu.dma_semaphore, #tpu.memory_space<semaphore_mem>>)
    %dma_wait3A_142 = arith.constant 127 : i32
    %dma_wait3A_143 = arith.constant 1 : i32
    %dma_wait3A_144 = arith.constant 0 : i32
    %dma_wait3A_145 = arith.constant 0 : i32
    %dma_wait3A_146 = tpu.memref_slice %arg7[%dma_wait3A_144, %dma_wait3A_145] : memref<200x64xf32, #tpu.memory_space<vmem>> -> memref<128x64xf32, #tpu.memory_space<vmem>>
    %dma_wait3A_147 = arith.constant 0 : i32
    %dma_wait3A_148 = tpu.memref_slice %arg5[%dma_wait3A_142, %dma_wait3A_147] : memref<128x200xi32, #tpu.memory_space<vmem>> -> memref<1x128xi32, #tpu.memory_space<vmem>>
    %dma_wait3A_149 = tpu.memref_squeeze %dma_wait3A_148 : memref<1x128xi32, #tpu.memory_space<vmem>> -> memref<128xi32, #tpu.memory_space<vmem>>
    %dma_wait3A_150 = arith.constant 0 : i32
    %dma_wait3A_151 = arith.constant 0 : i32
    %dma_wait3A_152 = tpu.memref_slice %arg2[%dma_wait3A_150, %dma_wait3A_151] : memref<1000000x64xf32, #tpu.memory_space<hbm>> -> memref<1000000x64xf32, #tpu.memory_space<hbm>>
    %dma_wait3A_153 = tpu.memref_slice %arg12[%dma_wait3A_143] : memref<3x!tpu.dma_semaphore, #tpu.memory_space<semaphore_mem>> -> memref<1x!tpu.dma_semaphore, #tpu.memory_space<semaphore_mem>>
    %dma_wait3A_154 = tpu.memref_squeeze %dma_wait3A_153 : memref<1x!tpu.dma_semaphore, #tpu.memory_space<semaphore_mem>> -> memref<!tpu.dma_semaphore, #tpu.memory_space<semaphore_mem>>
    tpu.wait_indirect_dma semaphore(%dma_wait3A_154 : memref<!tpu.dma_semaphore, #tpu.memory_space<semaphore_mem>>) src(%dma_wait3A_152 : memref<1000000x64xf32, #tpu.memory_space<hbm>>) dst(%dma_wait3A_146 : memref<128x64xf32, #tpu.memory_space<vmem>>)
    %dma_wait3A_155 = arith.constant 127 : i32
    %dma_wait3A_156 = arith.constant 1 : i32
    %dma_wait3A_157 = arith.constant 128 : i32
    %dma_wait3A_158 = arith.constant 0 : i32
    %dma_wait3A_159 = tpu.memref_slice %arg7[%dma_wait3A_157, %dma_wait3A_158] : memref<200x64xf32, #tpu.memory_space<vmem>> -> memref<72x64xf32, #tpu.memory_space<vmem>>
    %dma_wait3A_160 = arith.constant 128 : i32
    %dma_wait3A_161 = tpu.memref_slice %arg5[%dma_wait3A_155, %dma_wait3A_160] : memref<128x200xi32, #tpu.memory_space<vmem>> -> memref<1x72xi32, #tpu.memory_space<vmem>>
    %dma_wait3A_162 = tpu.memref_squeeze %dma_wait3A_161 : memref<1x72xi32, #tpu.memory_space<vmem>> -> memref<72xi32, #tpu.memory_space<vmem>>
    %dma_wait3A_163 = arith.constant 0 : i32
    %dma_wait3A_164 = arith.constant 0 : i32
    %dma_wait3A_165 = tpu.memref_slice %arg2[%dma_wait3A_163, %dma_wait3A_164] : memref<1000000x64xf32, #tpu.memory_space<hbm>> -> memref<1000000x64xf32, #tpu.memory_space<hbm>>
    %dma_wait3A_166 = tpu.memref_slice %arg12[%dma_wait3A_156] : memref<3x!tpu.dma_semaphore, #tpu.memory_space<semaphore_mem>> -> memref<1x!tpu.dma_semaphore, #tpu.memory_space<semaphore_mem>>
    %dma_wait3A_167 = tpu.memref_squeeze %dma_wait3A_166 : memref<1x!tpu.dma_semaphore, #tpu.memory_space<semaphore_mem>> -> memref<!tpu.dma_semaphore, #tpu.memory_space<semaphore_mem>>
    tpu.wait_indirect_dma semaphore(%dma_wait3A_167 : memref<!tpu.dma_semaphore, #tpu.memory_space<semaphore_mem>>) src(%dma_wait3A_165 : memref<1000000x64xf32, #tpu.memory_space<hbm>>) dst(%dma_wait3A_159 : memref<72x64xf32, #tpu.memory_space<vmem>>)
    %add3A_168 = arith.constant 124 : i32
    %add3A_169 = arith.addi %mul3A_2, %add3A_168 : i32
    %dma_wait3A_170 = arith.constant 1 : i32
    %dma_wait3A_171 = arith.constant 0 : i32
    %dma_wait3A_172 = arith.constant 0 : i32
    %dma_wait3A_173 = tpu.memref_slice %arg4[%add3A_169, %dma_wait3A_171, %dma_wait3A_172] : memref<4096x200x64xf32, #tpu.memory_space<hbm>> -> memref<1x200x64xf32, #tpu.memory_space<hbm>>
    %dma_wait3A_174 = tpu.memref_squeeze %dma_wait3A_173 : memref<1x200x64xf32, #tpu.memory_space<hbm>> -> memref<200x64xf32, #tpu.memory_space<hbm>>
    %dma_wait3A_175 = tpu.memref_slice %arg13[%dma_wait3A_170] : memref<3x!tpu.dma_semaphore, #tpu.memory_space<semaphore_mem>> -> memref<1x!tpu.dma_semaphore, #tpu.memory_space<semaphore_mem>>
    %dma_wait3A_176 = tpu.memref_squeeze %dma_wait3A_175 : memref<1x!tpu.dma_semaphore, #tpu.memory_space<semaphore_mem>> -> memref<!tpu.dma_semaphore, #tpu.memory_space<semaphore_mem>>
    %dma_wait3A_177 = arith.constant 0 : i32
    %dma_wait3A_178 = arith.constant 0 : i32
    %dma_wait3A_179 = tpu.memref_slice %arg4[%add3A_169, %dma_wait3A_177, %dma_wait3A_178] : memref<4096x200x64xf32, #tpu.memory_space<hbm>> -> memref<1x200x64xf32, #tpu.memory_space<hbm>>
    %dma_wait3A_180 = tpu.memref_squeeze %dma_wait3A_179 : memref<1x200x64xf32, #tpu.memory_space<hbm>> -> memref<200x64xf32, #tpu.memory_space<hbm>>
    tpu.wait_dma2 semaphore(%dma_wait3A_176 : memref<!tpu.dma_semaphore, #tpu.memory_space<semaphore_mem>>) src(%arg10 : memref<200x64xf32, #tpu.memory_space<vmem>>) dst(%dma_wait3A_180 : memref<200x64xf32, #tpu.memory_space<hbm>>)
    %scan3A_181 = arith.constant 0 : i32
    %scan3A_182 = arith.constant 0 : i32
    %scan3A_183 = arith.constant 200 : i32
    %scan3A_184 = arith.addi %scan3A_182, %scan3A_183 : i32
    %scan3A_185 = arith.constant 1 : i32
    scf.for %scan3A_239 = %scan3A_182 to %scan3A_184 step %scan3A_185  : i32 {
      %get3A = arith.index_cast %scan3A_239 : i32 to index
      %get3A_240 = arith.constant 0 : index
      %get3A_241 = tpu.vector_load %arg7[%get3A, %get3A_240] {strides = array<i32>} : memref<200x64xf32, #tpu.memory_space<vmem>>, vector<1x16xf32>,
      %get3A_242 = vector.shape_cast %get3A_241 : vector<1x16xf32> to vector<16xf32>
      %mul3A_243 = arith.constant 8.000000e+00 : f32
      %mul3A_244 = vector.broadcast %mul3A_243 : f32 to vector<16xf32>
      %mul3A_245 = arith.mulf %get3A_242, %mul3A_244 : vector<16xf32>
      %swap3A = arith.index_cast %scan3A_239 : i32 to index
      %swap3A_246 = arith.constant 0 : index
      %swap3A_247 = tpu.vector_load %arg10[%swap3A, %swap3A_246] {strides = array<i32>} : memref<200x64xf32, #tpu.memory_space<vmem>>, vector<1x16xf32>,
      %swap3A_248 = vector.shape_cast %swap3A_247 : vector<1x16xf32> to vector<16xf32>
      %swap3A_249 = vector.shape_cast %mul3A_245 : vector<16xf32> to vector<1x16xf32>
      tpu.vector_store %arg10[%swap3A, %swap3A_246], %swap3A_249 {strides = array<i32>} : memref<200x64xf32, #tpu.memory_space<vmem>>, vector<1x16xf32>,
      %get3A_250 = arith.index_cast %scan3A_239 : i32 to index
      %get3A_251 = arith.constant 16 : index
      %get3A_252 = tpu.vector_load %arg7[%get3A_250, %get3A_251] {strides = array<i32>} : memref<200x64xf32, #tpu.memory_space<vmem>>, vector<1x16xf32>,
      %get3A_253 = vector.shape_cast %get3A_252 : vector<1x16xf32> to vector<16xf32>
      %mul3A_254 = arith.constant 8.000000e+00 : f32
      %mul3A_255 = vector.broadcast %mul3A_254 : f32 to vector<16xf32>
      %mul3A_256 = arith.mulf %get3A_253, %mul3A_255 : vector<16xf32>
      %swap3A_257 = arith.index_cast %scan3A_239 : i32 to index
      %swap3A_258 = arith.constant 16 : index
      %swap3A_259 = tpu.vector_load %arg10[%swap3A_257, %swap3A_258] {strides = array<i32>} : memref<200x64xf32, #tpu.memory_space<vmem>>, vector<1x16xf32>,
      %swap3A_260 = vector.shape_cast %swap3A_259 : vector<1x16xf32> to vector<16xf32>
      %swap3A_261 = vector.shape_cast %mul3A_256 : vector<16xf32> to vector<1x16xf32>
      tpu.vector_store %arg10[%swap3A_257, %swap3A_258], %swap3A_261 {strides = array<i32>} : memref<200x64xf32, #tpu.memory_space<vmem>>, vector<1x16xf32>,
      %get3A_262 = arith.index_cast %scan3A_239 : i32 to index
      %get3A_263 = arith.constant 32 : index
      %get3A_264 = tpu.vector_load %arg7[%get3A_262, %get3A_263] {strides = array<i32>} : memref<200x64xf32, #tpu.memory_space<vmem>>, vector<1x16xf32>,
      %get3A_265 = vector.shape_cast %get3A_264 : vector<1x16xf32> to vector<16xf32>
      %mul3A_266 = arith.constant 8.000000e+00 : f32
      %mul3A_267 = vector.broadcast %mul3A_266 : f32 to vector<16xf32>
      %mul3A_268 = arith.mulf %get3A_265, %mul3A_267 : vector<16xf32>
      %swap3A_269 = arith.index_cast %scan3A_239 : i32 to index
      %swap3A_270 = arith.constant 32 : index
      %swap3A_271 = tpu.vector_load %arg10[%swap3A_269, %swap3A_270] {strides = array<i32>} : memref<200x64xf32, #tpu.memory_space<vmem>>, vector<1x16xf32>,
      %swap3A_272 = vector.shape_cast %swap3A_271 : vector<1x16xf32> to vector<16xf32>
      %swap3A_273 = vector.shape_cast %mul3A_268 : vector<16xf32> to vector<1x16xf32>
      tpu.vector_store %arg10[%swap3A_269, %swap3A_270], %swap3A_273 {strides = array<i32>} : memref<200x64xf32, #tpu.memory_space<vmem>>, vector<1x16xf32>,
      %get3A_274 = arith.index_cast %scan3A_239 : i32 to index
      %get3A_275 = arith.constant 48 : index
      %get3A_276 = tpu.vector_load %arg7[%get3A_274, %get3A_275] {strides = array<i32>} : memref<200x64xf32, #tpu.memory_space<vmem>>, vector<1x16xf32>,
      %get3A_277 = vector.shape_cast %get3A_276 : vector<1x16xf32> to vector<16xf32>
      %mul3A_278 = arith.constant 8.000000e+00 : f32
      %mul3A_279 = vector.broadcast %mul3A_278 : f32 to vector<16xf32>
      %mul3A_280 = arith.mulf %get3A_277, %mul3A_279 : vector<16xf32>
      %swap3A_281 = arith.index_cast %scan3A_239 : i32 to index
      %swap3A_282 = arith.constant 48 : index
      %swap3A_283 = tpu.vector_load %arg10[%swap3A_281, %swap3A_282] {strides = array<i32>} : memref<200x64xf32, #tpu.memory_space<vmem>>, vector<1x16xf32>,
      %swap3A_284 = vector.shape_cast %swap3A_283 : vector<1x16xf32> to vector<16xf32>
      %swap3A_285 = vector.shape_cast %mul3A_280 : vector<16xf32> to vector<1x16xf32>
      tpu.vector_store %arg10[%swap3A_281, %swap3A_282], %swap3A_285 {strides = array<i32>} : memref<200x64xf32, #tpu.memory_space<vmem>>, vector<1x16xf32>,
    }
    %scan3A_186 = arith.constant 200 : i32
    %add3A_187 = arith.constant 127 : i32
    %add3A_188 = arith.addi %mul3A_2, %add3A_187 : i32
    %dma_start3A_189 = arith.constant 1 : i32
    %dma_start3A_190 = arith.constant 0 : i32
    %dma_start3A_191 = arith.constant 0 : i32
    %dma_start3A_192 = tpu.memref_slice %arg4[%add3A_188, %dma_start3A_190, %dma_start3A_191] : memref<4096x200x64xf32, #tpu.memory_space<hbm>> -> memref<1x200x64xf32, #tpu.memory_space<hbm>>
    %dma_start3A_193 = tpu.memref_squeeze %dma_start3A_192 : memref<1x200x64xf32, #tpu.memory_space<hbm>> -> memref<200x64xf32, #tpu.memory_space<hbm>>
    %dma_start3A_194 = tpu.memref_slice %arg13[%dma_start3A_189] : memref<3x!tpu.dma_semaphore, #tpu.memory_space<semaphore_mem>> -> memref<1x!tpu.dma_semaphore, #tpu.memory_space<semaphore_mem>>
    %dma_start3A_195 = tpu.memref_squeeze %dma_start3A_194 : memref<1x!tpu.dma_semaphore, #tpu.memory_space<semaphore_mem>> -> memref<!tpu.dma_semaphore, #tpu.memory_space<semaphore_mem>>
    %dma_start3A_196 = arith.constant 0 : i32
    %dma_start3A_197 = arith.constant 0 : i32
    %dma_start3A_198 = tpu.memref_slice %arg4[%add3A_188, %dma_start3A_196, %dma_start3A_197] : memref<4096x200x64xf32, #tpu.memory_space<hbm>> -> memref<1x200x64xf32, #tpu.memory_space<hbm>>
    %dma_start3A_199 = tpu.memref_squeeze %dma_start3A_198 : memref<1x200x64xf32, #tpu.memory_space<hbm>> -> memref<200x64xf32, #tpu.memory_space<hbm>>
    tpu.enqueue_dma source(%arg10 : memref<200x64xf32, #tpu.memory_space<vmem>>) target(%dma_start3A_199 : memref<200x64xf32, #tpu.memory_space<hbm>>) target_semaphore(%dma_start3A_195 : memref<!tpu.dma_semaphore, #tpu.memory_space<semaphore_mem>>)
    %add3A_200 = arith.constant 125 : i32
    %add3A_201 = arith.addi %mul3A_2, %add3A_200 : i32
    %dma_wait3A_202 = arith.constant 2 : i32
    %dma_wait3A_203 = arith.constant 0 : i32
    %dma_wait3A_204 = arith.constant 0 : i32
    %dma_wait3A_205 = tpu.memref_slice %arg4[%add3A_201, %dma_wait3A_203, %dma_wait3A_204] : memref<4096x200x64xf32, #tpu.memory_space<hbm>> -> memref<1x200x64xf32, #tpu.memory_space<hbm>>
    %dma_wait3A_206 = tpu.memref_squeeze %dma_wait3A_205 : memref<1x200x64xf32, #tpu.memory_space<hbm>> -> memref<200x64xf32, #tpu.memory_space<hbm>>
    %dma_wait3A_207 = tpu.memref_slice %arg13[%dma_wait3A_202] : memref<3x!tpu.dma_semaphore, #tpu.memory_space<semaphore_mem>> -> memref<1x!tpu.dma_semaphore, #tpu.memory_space<semaphore_mem>>
    %dma_wait3A_208 = tpu.memref_squeeze %dma_wait3A_207 : memref<1x!tpu.dma_semaphore, #tpu.memory_space<semaphore_mem>> -> memref<!tpu.dma_semaphore, #tpu.memory_space<semaphore_mem>>
    %dma_wait3A_209 = arith.constant 0 : i32
    %dma_wait3A_210 = arith.constant 0 : i32
    %dma_wait3A_211 = tpu.memref_slice %arg4[%add3A_201, %dma_wait3A_209, %dma_wait3A_210] : memref<4096x200x64xf32, #tpu.memory_space<hbm>> -> memref<1x200x64xf32, #tpu.memory_space<hbm>>
    %dma_wait3A_212 = tpu.memref_squeeze %dma_wait3A_211 : memref<1x200x64xf32, #tpu.memory_space<hbm>> -> memref<200x64xf32, #tpu.memory_space<hbm>>
    tpu.wait_dma2 semaphore(%dma_wait3A_208 : memref<!tpu.dma_semaphore, #tpu.memory_space<semaphore_mem>>) src(%arg11 : memref<200x64xf32, #tpu.memory_space<vmem>>) dst(%dma_wait3A_212 : memref<200x64xf32, #tpu.memory_space<hbm>>)
    %add3A_213 = arith.constant 126 : i32
    %add3A_214 = arith.addi %mul3A_2, %add3A_213 : i32
    %dma_wait3A_215 = arith.constant 0 : i32
    %dma_wait3A_216 = arith.constant 0 : i32
    %dma_wait3A_217 = arith.constant 0 : i32
    %dma_wait3A_218 = tpu.memref_slice %arg4[%add3A_214, %dma_wait3A_216, %dma_wait3A_217] : memref<4096x200x64xf32, #tpu.memory_space<hbm>> -> memref<1x200x64xf32, #tpu.memory_space<hbm>>
    %dma_wait3A_219 = tpu.memref_squeeze %dma_wait3A_218 : memref<1x200x64xf32, #tpu.memory_space<hbm>> -> memref<200x64xf32, #tpu.memory_space<hbm>>
    %dma_wait3A_220 = tpu.memref_slice %arg13[%dma_wait3A_215] : memref<3x!tpu.dma_semaphore, #tpu.memory_space<semaphore_mem>> -> memref<1x!tpu.dma_semaphore, #tpu.memory_space<semaphore_mem>>
    %dma_wait3A_221 = tpu.memref_squeeze %dma_wait3A_220 : memref<1x!tpu.dma_semaphore, #tpu.memory_space<semaphore_mem>> -> memref<!tpu.dma_semaphore, #tpu.memory_space<semaphore_mem>>
    %dma_wait3A_222 = arith.constant 0 : i32
    %dma_wait3A_223 = arith.constant 0 : i32
    %dma_wait3A_224 = tpu.memref_slice %arg4[%add3A_214, %dma_wait3A_222, %dma_wait3A_223] : memref<4096x200x64xf32, #tpu.memory_space<hbm>> -> memref<1x200x64xf32, #tpu.memory_space<hbm>>
    %dma_wait3A_225 = tpu.memref_squeeze %dma_wait3A_224 : memref<1x200x64xf32, #tpu.memory_space<hbm>> -> memref<200x64xf32, #tpu.memory_space<hbm>>
    tpu.wait_dma2 semaphore(%dma_wait3A_221 : memref<!tpu.dma_semaphore, #tpu.memory_space<semaphore_mem>>) src(%arg9 : memref<200x64xf32, #tpu.memory_space<vmem>>) dst(%dma_wait3A_225 : memref<200x64xf32, #tpu.memory_space<hbm>>)
    %add3A_226 = arith.constant 127 : i32
    %add3A_227 = arith.addi %mul3A_2, %add3A_226 : i32
    %dma_wait3A_228 = arith.constant 1 : i32
    %dma_wait3A_229 = arith.constant 0 : i32
    %dma_wait3A_230 = arith.constant 0 : i32
    %dma_wait3A_231 = tpu.memref_slice %arg4[%add3A_227, %dma_wait3A_229, %dma_wait3A_230] : memref<4096x200x64xf32, #tpu.memory_space<hbm>> -> memref<1x200x64xf32, #tpu.memory_space<hbm>>
    %dma_wait3A_232 = tpu.memref_squeeze %dma_wait3A_231 : memref<1x200x64xf32, #tpu.memory_space<hbm>> -> memref<200x64xf32, #tpu.memory_space<hbm>>
    %dma_wait3A_233 = tpu.memref_slice %arg13[%dma_wait3A_228] : memref<3x!tpu.dma_semaphore, #tpu.memory_space<semaphore_mem>> -> memref<1x!tpu.dma_semaphore, #tpu.memory_space<semaphore_mem>>
    %dma_wait3A_234 = tpu.memref_squeeze %dma_wait3A_233 : memref<1x!tpu.dma_semaphore, #tpu.memory_space<semaphore_mem>> -> memref<!tpu.dma_semaphore, #tpu.memory_space<semaphore_mem>>
    %dma_wait3A_235 = arith.constant 0 : i32
    %dma_wait3A_236 = arith.constant 0 : i32
    %dma_wait3A_237 = tpu.memref_slice %arg4[%add3A_227, %dma_wait3A_235, %dma_wait3A_236] : memref<4096x200x64xf32, #tpu.memory_space<hbm>> -> memref<1x200x64xf32, #tpu.memory_space<hbm>>
    %dma_wait3A_238 = tpu.memref_squeeze %dma_wait3A_237 : memref<1x200x64xf32, #tpu.memory_space<hbm>> -> memref<200x64xf32, #tpu.memory_space<hbm>>
    tpu.wait_dma2 semaphore(%dma_wait3A_234 : memref<!tpu.dma_semaphore, #tpu.memory_space<semaphore_mem>>) src(%arg10 : memref<200x64xf32, #tpu.memory_space<vmem>>) dst(%dma_wait3A_238 : memref<200x64xf32, #tpu.memory_space<hbm>>)
    return
  }
}

</mosaic_0001>

<sc_bundles>
// kernel: _emb_lookup.3.cloned.1.call-start
scs
__scs_entry_jumppad:
0x0: {  	(pc) =	sbr.rel $0x88, $3  }
0x1: {  	(tag) =	ssettag $0x0;
	lr =	simm.s32 $0x1  }
0x2: {  	[smem:$0x3F9F] =	sst lr;
	_ =	strace $0xD0000000  }
0x3: {  	_ = 	snop  }
0x4: {  	_ = 	snop  }
0x5: {  	_ = 	snop  }
0x6: {  	_ = 	snop  }
0x7: {  	_ = 	snop  }
__scs_overlays_trampoline_lowered:
0x8: {  	[smem:$0x3FAE] =	sst s0  }
0x9: {  	[smem:$0x3FAF] =	sst s1  }
0xa: {  	[smem:$0x3FB0] =	sst s2  }
0xb: {  	[smem:$0x3FB1] =	sst s3  }
0xc: {  	[smem:$0x3FB2] =	sst s4  }
0xd: {  	[smem:$0x3FB3] =	sst s5  }
0xe: {  	[smem:$0x3FB4] =	sst s6  }
0xf: {  	[smem:$0x3FB5] =	sst s7  }
0x10: {  	[smem:$0x3FB6] =	sst s8  }
0x11: {  	[smem:$0x3FB7] =	sst s9;
	s0 =	simm.s32 @!p0 $0x0  }
0x12: {  	s1 =	sld [smem:$0x3F9D];
	s0 =	simm.s32 @p0 $0x1  }
0x13: {  	[smem:$0x3FB8] =	sst s0;
	s0 =	simm.s32 @!p1 $0x0  }
0x14: {  	s2 =	sld [smem:$0x3F9C];
	s0 =	simm.s32 @p1 $0x1  }
0x15: {  	[smem:$0x3FB9] =	sst s0;
	s0 =	simm.s32 @!p2 $0x0  }
0x16: {  	s3 =	sld [smem:$0x3FDB];
	s0 =	simm.s32 @p2 $0x1  }
0x17: {  	s4 =	simm.s32 $0x1BF5;
	[smem:$0x3FBB] =	sst s0  }
0x18: {  	s0 =	sld [smem:$0x3F9E];
	_ =	swait.ge [sflag:s4], $0x0  }
0x19: {  	s7 =	sld [smem:$0x3F9F]  }
0x1a: {  	s8 =	sadd.s32 $0xFFFFE003, lr  }
0x1b: {  	s9 =	sadd.s32 $0xFFFFFEF7, lr;
	s5 =	simm.s32 $0xFFFFFFFF;
	p2 =	slt.u32 s8, $0xFFFFF086  }
0x1c: {  	p1 =	slt.u32 s9, $0xF7A;
	s5 =	simm.s32 @!p2 $0x0  }
0x1d: {  	s5 =	simm.s32 @p1 $0x1;
	p0 =	seq.s32 s7, s2  }
0x1e: {  	s7 =	smul.u32 @!p0 $0xF7A, s2;
	p2 =	seq.s32 @!p0 s5, $0x0  }
0x1f: {  	s9 =	smul.u32 $0xF7A, s1;
	s8 =	simm.s32 @!p0 $0x1BF5;
	p2 =	por !p2, p0  }
0x20: {  	[sflag:s8] =	ssyncset.s32 @!p0 $0xFFFFF086;
	s6 =	sadd.s32 @!p0 s3, s7;
	s7 =	simm.s32 @!p0 $0x108  }
0x21: {  	s3 =	sadd.s32 s3, s9;
	s6 =	sadd.s32 @!p0 $0x88, s6;
	s7 =	simm.s32 @p2 $0x1082  }
0x22: {  	[simem:s7], [sflag:s8] =	dma.local @!p0 [hbm:s6], $0xF7A  }
0x23: {  	s9 =	sor.u32 $0xD0000000, s2;
	s6 =	simm.s32 $0x108;
	_ =	swait.ge @!p0 [sflag:s8], $0x0  }
0x24: {  	s3 =	sadd.s32 $0x88, s3;
	s6 =	simm.s32 @!p1 $0x1082;
	[sflag:s4] =	ssyncset.s32 $0xFFFFF086  }
0x25: {  	[simem:s6], [sflag:s4] =	dma.local [hbm:s3], $0xF7A  }
0x26: {  	[smem:$0x3F9F] =	sst s1;
	(tag) =	ssettag s2;
	_ =	strace s9  }
0x27: {  	s1 =	sld [smem:$0x3FAF]  }
0x28: {  	s2 =	sld [smem:$0x3FB0]  }
0x29: {  	s4 =	sld [smem:$0x3FB2]  }
0x2a: {  	p0 =	seq.s32 s5, $0x0;
	s5 =	sld [smem:$0x3FB3]  }
0x2b: {  	s6 =	sld [smem:$0x3FB4]  }
0x2c: {  	s7 =	sld [smem:$0x3FB5]  }
0x2d: {  	s3 =	simm.s32 $0x108;
	s8 =	sld [smem:$0x3FB6]  }
0x2e: {  	s3 =	simm.s32 @!p0 $0x1082;
	s9 =	sld [smem:$0x3FB7]  }
0x2f: {  	lr =	sadd.s32 s0, s3;
	s0 =	sld [smem:$0x3FAE]  }
0x30: {  	s3 =	sld [smem:$0x3FB1]  }
0x31: {  	[smem:$0x3FBA] =	sst s10  }
0x32: {  	s10 =	sld [smem:$0x3FB8];
	_ =	sdelay $0x3  }
0x33: {  	p0 =	seq.s32 s10, $0x1;
	s10 =	sld [smem:$0x3FBA];
	_ =	sdelay $0x3  }
0x34: {  	[smem:$0x3FBA] =	sst s10  }
0x35: {  	s10 =	sld [smem:$0x3FB9];
	_ =	sdelay $0x3  }
0x36: {  	p1 =	seq.s32 s10, $0x1;
	s10 =	sld [smem:$0x3FBA];
	_ =	sdelay $0x3  }
0x37: {  	[smem:$0x3FBA] =	sst s10  }
0x38: {  	s10 =	sld [smem:$0x3FBB]  }
0x39: {  	_ = 	snop;
	(pc) =	sbr.ind lr, $3  }
0x3a: {  	_ = 	snop  }
0x3b: {  	_ = 	snop  }
0x3c: {  	p2 =	seq.s32 s10, $0x1;
	s10 =	sld [smem:$0x3FBA]  }
0x3d: {  	_ =	shalt  }
0x3e: {  	_ =	shalt  }
0x3f: {  	_ =	shalt  }
0x40: {  	_ =	shalt  }
0x41: {  	_ =	shalt  }
0x42: {  	_ =	shalt  }
0x43: {  	_ =	shalt  }
0x44: {  	_ =	shalt  }
0x45: {  	_ =	shalt  }
0x46: {  	_ =	shalt  }
0x47: {  	_ =	shalt  }
0x48: {  	_ =	shalt  }
0x49: {  	_ =	shalt  }
0x4a: {  	_ =	shalt  }
0x4b: {  	_ =	shalt  }
0x4c: {  	_ =	shalt  }
0x4d: {  	_ =	shalt  }
0x4e: {  	_ =	shalt  }
0x4f: {  	_ =	shalt  }
0x50: {  	_ =	shalt  }
0x51: {  	_ =	shalt  }
0x52: {  	_ =	shalt  }
0x53: {  	_ =	shalt  }
0x54: {  	_ =	shalt  }
0x55: {  	_ =	shalt  }
0x56: {  	_ =	shalt  }
0x57: {  	_ =	shalt  }
0x58: {  	_ =	shalt  }
0x59: {  	_ =	shalt  }
0x5a: {  	_ =	shalt  }
0x5b: {  	_ =	shalt  }
0x5c: {  	_ =	shalt  }
0x5d: {  	_ =	shalt  }
0x5e: {  	_ =	shalt  }
0x5f: {  	_ =	shalt  }
0x60: {  	_ =	shalt  }
0x61: {  	_ =	shalt  }
0x62: {  	_ =	shalt  }
0x63: {  	_ =	shalt  }
0x64: {  	_ =	shalt  }
0x65: {  	_ =	shalt  }
0x66: {  	_ =	shalt  }
0x67: {  	_ =	shalt  }
0x68: {  	_ =	shalt  }
0x69: {  	_ =	shalt  }
0x6a: {  	_ =	shalt  }
0x6b: {  	_ =	shalt  }
0x6c: {  	_ =	shalt  }
0x6d: {  	_ =	shalt  }
0x6e: {  	_ =	shalt  }
0x6f: {  	_ =	shalt  }
0x70: {  	_ =	shalt  }
0x71: {  	_ =	shalt  }
0x72: {  	_ =	shalt  }
0x73: {  	_ =	shalt  }
0x74: {  	_ =	shalt  }
0x75: {  	_ =	shalt  }
0x76: {  	_ =	shalt  }
0x77: {  	_ =	shalt  }
0x78: {  	_ =	shalt  }
0x79: {  	_ =	shalt  }
0x7a: {  	_ =	shalt  }
0x7b: {  	_ =	shalt  }
0x7c: {  	_ =	shalt  }
0x7d: {  	_ =	shalt  }
0x7e: {  	_ =	shalt  }
0x7f: {  	_ =	shalt  }
0x80: {  	_ =	shalt  }
0x81: {  	_ =	shalt  }
0x82: {  	_ =	shalt  }
0x83: {  	_ =	shalt  }
0x84: {  	_ =	shalt  }
0x85: {  	_ =	shalt  }
0x86: {  	_ =	shalt  }
0x87: {  	_ =	shalt  }
.Lfunc_end0:
.L_simem_size_0:
called_computation.1_lowered:
.L_overlay_start_0:
0x88: {  	s2 =	sld [smem:$0x3FD9]  }
0x89: {  	s3 =	sld [smem:$0x3FFE];
	_ =	sdelay $0x1  }
0x8a: {  	s1 =	srdreg.scid  }
0x8b: {  	s0 =	sand.u32 $0x1, s1  }
0x8c: {  	s17 =	sshll.u32 s0, $0xA;
	s2 =	sadd.s32 s3, s2  }
0x8d: {  	s2 =	sadd.s32 s2, s17  }
0x8e: {  	[smem:$0x3FC6] =	sst s2  }
0x8f: {  	_ = 	snop  }
0x90: {  	s2 =	sld [smem:$0x3FD0];
	(tm) =	ssettm $0x1  }
0x91: {  	s18 =	sld [smem:$0x3FFB];
	_ =	sdelay $0x3  }
0x92: {  	_ =	strace s18  }
0x93: {  	s3 =	sld [smem:$0x3FFC];
	_ =	sdelay $0x3  }
0x94: {  	_ =	strace s3  }
0x95: {  	s3 =	sld [smem:$0x3FFD];
	_ =	sdelay $0x3  }
0x96: {  	_ =	strace s3  }
0x97: {  	_ =	strace $0x8FFFFFFF  }
0x98: {  	s19 =	sld [smem:$0x3FDB];
	_ =	sdelay $0x1  }
0x99: {  	s4 =	simm.s32 $_scs_section_size  }
0x9a: {  	s5 =	simm.s32 $_size__tile_overlayer_lowered;
	s6 =	simm.s32 $_tile_overlayer_lowered  }
0x9b: {  	s22 =	simm.s32 $0x1BFF;
	s21 =	sshll.u32 s6, $0x1;
	s3 =	sadd.s32 s4, s19  }
0x9c: {  	s7 =	simm.s32 $0x0;
	s20 =	sshll.u32 s5, $0x1;
	s5 =	sadd.s32 s21, s3  }
0x9d: {  	[timem:s7], [sflag:s22] =	dma.local [hbm:s5], s20  }
0x9e: {  	_ =	swait.ge [sflag:s22], s20  }
0x9f: {  	s4 =	ssub.s32 $0x0, s20;
	[sflag:s22] =	ssyncset.done $0x0  }
0xa0: {  	[sflag:s22] =	ssyncadd.s32 s4;
	_ =	sdelay $0x1  }
0xa1: {  	s23 =	simm.s32 $0x1B8B  }
0xa2: {  	_ =	swait.ge [sflag:s23], $0x1  }
0xa3: {  	[sflag:s23] =	ssyncset.done $0x0  }
0xa4: {  	s25 =	simm.s32 $0x1B8E;
	s24 =	sld [smem:$0x3FFE];
	[sflag:s23] =	ssyncadd.s32 $0xFFFFFFFF  }
0xa5: {  	s26 =	simm.s32 $execute0_lowered;
	[smem:$0x3FD2] =	sst s25  }
0xa6: {  	s5 =	sshll.u32 s26, $0x1;
	_ =	strace $0x80000046;
	[dreg:$0x1] =	wrdreg $0xFFFFFFFF  }
0xa7: {  	s28 =	simm.s32 $_size_execute0_lowered;
	s3 =	sadd.s32 s3, s5;
	[dreg:$0x0] =	wrdreg $0x0  }
0xa8: {  	s5 =	sshll.u32 s28, $0x1;
	[dreg:$0x2] =	wrdreg s3  }
0xa9: {  	[dreg:$0x3] =	wrdreg s5  }
0xaa: {  	[dreg:$0x4] =	wrdreg $0xC0  }
0xab: {  	_ =	task [dreg:s7], $0x5FFFF  }
0xac: {  	[dreg:$0x1] =	wrdreg $0xFFFFFFFF  }
0xad: {  	[dreg:$0x0] =	wrdreg $0x60  }
0xae: {  	[dreg:$0x2] =	wrdreg s24  }
0xaf: {  	[dreg:$0x3] =	wrdreg s2  }
0xb0: {  	[dreg:$0x4] =	wrdreg $0x9  }
0xb1: {  	_ =	task.clear_ibuf [dreg:s7], $0x5FFFF;
	_ =	strace $0x90000046  }
0xb2: {  	s29 =	simm.s32 $0x9;
	_ =	strace $0x80000048  }
0xb3: {  	_ =	swait.ge [sflag:s29], $0x1  }
0xb4: {  	[sflag:s29] =	ssyncadd.s32 $0xFFFFFFFF  }
0xb5: {  	_ =	strace $0x90000048  }
0xb6: {  	_ =	sfence  }
0xb7: {  	s30 =	sld [smem:$0x0];
	_ =	sdelay $0x2  }
0xb8: {  	s31 =	sshll.u32 s1, $0xD;
	s1 =	sshrl.u32 s1, $0x2  }
0xb9: {  	s3 =	sand.u32 $0x4000, s31;
	s1 =	sadd.s32 s1, s30  }
0xba: {  	s0 =	sor.u32 s3, s0;
	s1 =	sshll.u32 s1, $0x11  }
0xbb: {  	s0 =	sor.u32 s1, s0  }
0xbc: {  	s0 =	sadd.s32 $0x8F2B, s0  }
0xbd: {  	[sflag:s0] =	ssyncadd.remote.s32 $0x1  }
0xbe: {  	_ =	sfence.sel $0xFFFF  }
0xbf: {  	[dreg:$0x0] =	wrdreg $0xFFFFFFFF;
	(pc) =	sbr.abs _section_cstart, $3  }
0xc0: {  	[dreg:$0x1] =	wrdreg $0xFFFFFFFF  }
0xc1: {  	_ =	task.clear_ibuf [dreg:s7], $0x2FFFF;
	_ =	strace $0x9FFFFFFF  }
0xc2: {  	(tm) =	ssettm $0x7FFFFFFF  }
0xc3: {  	_ =	shalt  }
tec
execute0_lowered:
.L_overlay_start_1:
0x0: {  	(tag) =	ssettag $0x1  }
0x1: {  	s0 =	srdreg.scid  }
0x2: {  	s2 =	stileid.u32;
	s1 =	rddreg [dreg:$0x0];
	s12 =	simm.s32 $0x7  }
0x3: {  	s13 =	simm.s32 $0x80;
	s14 =	simm.s32 $0x6400;
	s15 =	simm.s32 $0x48  }
0x4: {  	s16 =	simm.s32 $0x8400;
	s18 =	simm.s32 $0x9600;
	s20 =	simm.s32 $0xB600  }
0x5: {  	s22 =	simm.s32 $0xC800;
	s24 =	simm.s32 $0xE800;
	s28 =	simm.s32 $0x2  }
0x6: {  	s29 =	simm.s32 $0x12C00;
	s30 =	simm.s32 $0x3;
	s31 =	simm.s32 $0x15E00  }
0x7: {  	s17 =	simm.s32 $0x6;
	s19 =	simm.s32 $0x0;
	s0 =	sand.u32 $0x1, s0  }
0x8: {  	s3 =	sshll.u32 s2, $0x8;
	s2 =	rddreg [dreg:$0x1];
	s4 =	sshll.u32 s0, $0x7  }
0x9: {  	s5 =	sadd.s32 $0xF42E00, s1;
	s0 =	ssub.s32 $0x2, s0;
	s3 =	sor.u32 s4, s3  }
0xa: {  	s4 =	simm.s32 $0x0;
	s8 =	sshrl.u32 s0, $0x1;
	s6 =	smul.u32 $0x19, s3  }
0xb: {  	[smem:$0x7FF] =	sst s4;
	s7 =	smul.u32 $0x3200, s3;
	s0 =	ssub.s32 s0, s8  }
0xc: {  	s8 =	sor.u32 $0x2, s3;
	_ =	strace $0x80000047;
	s0 =	smax.u32 s0, $0x1  }
0xd: {  	s1 =	sadd.s32 s6, s1;
	s25 =	sshrl.u32 s7, $0x3;
	s7 =	sor.u32 $0x1, s3  }
0xe: {  	[dreg:$0x6] =	wrdreg s0;
	s1 =	sadd.s32 $0xA00, s1;
	s26 =	sadd.s32 s2, s25  }
0xf: {  	s0 =	simm.s32 $0x5;
	[dreg:$0x3] =	wrdreg s1;
	s6 =	sadd.s32 $0x31380, s26  }
0x10: {  	s25 =	simm.s32 $0x1;
	s1 =	sadd.s32 $0x319C0, s26;
	[dreg:$0x4] =	wrdreg s6  }
0x11: {  	s26 =	simm.s32 $0xFA00;
	[dreg:$0x5] =	wrdreg s1;
	s1 =	simm.s32 $0x4  }
.LBB2_1:
0x12: {  	s6 =	rddreg [dreg:$0x3]  }
0x13: {  	[tilespmem:s4], [sflag:$0x7] =	stream.linear.gather [hbm4b:s6+s4], $0x6400, $0x38;
	[tilespmem:$0x19000] =	vst v63  }
0x14: {  	_ =	swait.ge [sflag:s12], $0x6400  }
0x15: {  	[sflag:s12] =	ssyncset.done $0x0  }
0x16: {  	[sflag:s12] =	ssyncadd.s32 $0xFFFF9C00  }
0x17: {  	[tilespmem:s14], [sflag:$0x1] =	stream.indirect.gather [hbm4b:s5+s13], $0x40, s4, s13, $0xb8;
	[tilespmem:$0x19000] =	vst v63  }
0x18: {  	_ = 	snop  }
0x19: {  	[tilespmem:s16], [sflag:$0x1] =	stream.indirect.gather [hbm4b:s5+s15], $0x40, s13, s15, $0xb8;
	[tilespmem:$0x19000] =	vst v63  }
0x1a: {  	s10 =	simm.s32 $0xC8  }
0x1b: {  	[tilespmem:s18], [sflag:$0x2] =	stream.indirect.gather [hbm4b:s5+s13], $0x40, s10, s13, $0xb8;
	[tilespmem:$0x19000] =	vst v63  }
0x1c: {  	s11 =	simm.s32 $0x148  }
0x1d: {  	[tilespmem:s20], [sflag:$0x2] =	stream.indirect.gather [hbm4b:s5+s15], $0x40, s11, s15, $0xb8;
	[tilespmem:$0x19000] =	vst v63  }
0x1e: {  	s21 =	simm.s32 $0x190  }
0x1f: {  	[tilespmem:s22], [sflag:$0x3] =	stream.indirect.gather [hbm4b:s5+s13], $0x40, s21, s13, $0xb8;
	[tilespmem:$0x19000] =	vst v63  }
0x20: {  	s23 =	simm.s32 $0x210;
	s21 =	simm.s32 $0x0  }
0x21: {  	[tilespmem:s24], [sflag:$0x3] =	stream.indirect.gather [hbm4b:s5+s15], $0x40, s23, s15, $0xb8;
	[tilespmem:$0x19000] =	vst v63  }
.LBB2_2:
0x22: {  	_ =	swait.ge [sflag:s25], $0x2000  }
0x23: {  	[sflag:s25] =	ssyncset.done $0x0  }
0x24: {  	[sflag:s25] =	ssyncadd.s32 $0xFFFFE000  }
0x25: {  	_ =	swait.ge [sflag:s25], $0x1200  }
0x26: {  	p0 =	seq.s32 s21, $0x0;
	[sflag:s25] =	ssyncset.done $0x0  }
0x27: {  	s6 =	simm.s32 @!p0 $0x4;
	[sflag:s25] =	ssyncadd.s32 $0xFFFFEE00  }
0x28: {  	_ =	swait.ge @!p0 [sflag:s6], $0x3200  }
0x29: {  	[sflag:s6] =	ssyncset.done @!p0 $0x0  }
0x2a: {  	[sflag:s6] =	ssyncadd.s32 @!p0 $0xFFFFCE00;
	s6 =	simm.s32 $0x0  }
0x2b: {  	v1 =	vld [tilespmem:s6+$0x6430]  }
0x2c: {  	v2 =	vld [tilespmem:s6+$0x6400]  }
0x2d: {  	v3 =	vld [tilespmem:s6+$0x6410]  }
0x2e: {  	v0 =	vld [tilespmem:s6+$0x6420]  }
0x2f: {  	s23 =	smul.u32 $0x3, s21;
	s9 =	simm.s32 $0x100  }
.LBB2_3:
0x30: {  	s10 =	sshra.s32 s9, $0x2;
	p1 =	sne.s32 s9, $0xC700;
	s9 =	sadd.s32 $0x100, s9;
	v4 =	vmul.f32 $8.000000000e+00, v1  }
.Ltmp0:
0x31: {  	v1 =	vld [tilespmem:s10+$0x6430];
	v5 =	vmul.f32 $8.000000000e+00, v2;
	(pc) =	sbr.rel @p1 .LBB2_3-.Ltmp0, $4  }
0x32: {  	v2 =	vld [tilespmem:s10+$0x6400];
	v6 =	vmul.f32 $8.000000000e+00, v3;
	[tilespmem:s6+$0xFA30] =	vst v4  }
0x33: {  	v3 =	vld [tilespmem:s10+$0x6410];
	[tilespmem:s6+$0xFA00] =	vst v5;
	v4 =	vmul.f32 $8.000000000e+00, v0  }
0x34: {  	v0 =	vld [tilespmem:s10+$0x6420];
	[tilespmem:s6+$0xFA10] =	vst v6  }
0x35: {  	[tilespmem:s6+$0xFA20] =	vst v4;
	s6 =	smov.u32 s10  }
0x36: {  	v1 =	vmul.f32 $8.000000000e+00, v1  }
0x37: {  	v2 =	vmul.f32 $8.000000000e+00, v2  }
0x38: {  	s9 =	sadd.s32 s3, s23;
	s10 =	smul.u32 $0x960, s21;
	v3 =	vmul.f32 $8.000000000e+00, v3;
	[tilespmem:s6+$0xFA30] =	vst v1  }
0x39: {  	s9 =	smul.u32 $0x640, s9;
	[tilespmem:s6+$0xFA00] =	vst v2;
	v0 =	vmul.f32 $8.000000000e+00, v0  }
0x3a: {  	[tilespmem:s6+$0xFA10] =	vst v3  }
0x3b: {  	s9 =	sadd.s32 s2, s9;
	[tilespmem:s6+$0xFA20] =	vst v0;
	s6 =	sshra.s32 s10, $0x2  }
0x3c: {  	[hbm4b:s9+s4] =	stream.linear.scatter [tilespmem:s26], [sflag:$0x4], $0x3200, $0x38;
	[tilespmem:$0x19000] =	vst v63  }
0x3d: {  	s9 =	sadd.s32 $0x258, s6  }
0x3e: {  	[tilespmem:s14], [sflag:$0x1] =	stream.indirect.gather [hbm4b:s5+s13], $0x40, s9, s13, $0xb8;
	[tilespmem:$0x19000] =	vst v63  }
0x3f: {  	s11 =	sadd.s32 $0x2D8, s6  }
0x40: {  	[tilespmem:s16], [sflag:$0x1] =	stream.indirect.gather [hbm4b:s5+s15], $0x40, s11, s15, $0xb8;
	[tilespmem:$0x19000] =	vst v63  }
0x41: {  	_ =	swait.ge [sflag:s28], $0x2000  }
0x42: {  	[sflag:s28] =	ssyncset.done $0x0  }
0x43: {  	[sflag:s28] =	ssyncadd.s32 $0xFFFFE000  }
0x44: {  	_ =	swait.ge [sflag:s28], $0x1200  }
0x45: {  	[sflag:s28] =	ssyncset.done $0x0  }
0x46: {  	s9 =	simm.s32 @!p0 $0x5;
	[sflag:s28] =	ssyncadd.s32 $0xFFFFEE00  }
0x47: {  	_ =	swait.ge @!p0 [sflag:s9], $0x3200  }
0x48: {  	[sflag:s9] =	ssyncset.done @!p0 $0x0  }
0x49: {  	[sflag:s9] =	ssyncadd.s32 @!p0 $0xFFFFCE00;
	s9 =	simm.s32 $0x0  }
0x4a: {  	v1 =	vld [tilespmem:s9+$0x9630]  }
0x4b: {  	v2 =	vld [tilespmem:s9+$0x9600]  }
0x4c: {  	v3 =	vld [tilespmem:s9+$0x9610]  }
0x4d: {  	v0 =	vld [tilespmem:s9+$0x9620]  }
0x4e: {  	s10 =	simm.s32 $0x100  }
.LBB2_5:
0x4f: {  	s11 =	sshra.s32 s10, $0x2;
	p1 =	sne.s32 s10, $0xC700;
	s10 =	sadd.s32 $0x100, s10;
	v4 =	vmul.f32 $8.000000000e+00, v1  }
.Ltmp1:
0x50: {  	v1 =	vld [tilespmem:s11+$0x9630];
	v5 =	vmul.f32 $8.000000000e+00, v2;
	(pc) =	sbr.rel @p1 .LBB2_5-.Ltmp1, $4  }
0x51: {  	v2 =	vld [tilespmem:s11+$0x9600];
	v6 =	vmul.f32 $8.000000000e+00, v3;
	[tilespmem:s9+$0x12C30] =	vst v4  }
0x52: {  	v3 =	vld [tilespmem:s11+$0x9610];
	[tilespmem:s9+$0x12C00] =	vst v5;
	v4 =	vmul.f32 $8.000000000e+00, v0  }
0x53: {  	v0 =	vld [tilespmem:s11+$0x9620];
	[tilespmem:s9+$0x12C10] =	vst v6  }
0x54: {  	[tilespmem:s9+$0x12C20] =	vst v4;
	s9 =	smov.u32 s11  }
0x55: {  	v1 =	vmul.f32 $8.000000000e+00, v1  }
0x56: {  	v2 =	vmul.f32 $8.000000000e+00, v2  }
0x57: {  	s10 =	sadd.s32 s23, s7;
	v3 =	vmul.f32 $8.000000000e+00, v3;
	[tilespmem:s9+$0x12C30] =	vst v1  }
0x58: {  	s10 =	smul.u32 $0x640, s10;
	[tilespmem:s9+$0x12C00] =	vst v2;
	v0 =	vmul.f32 $8.000000000e+00, v0  }
0x59: {  	[tilespmem:s9+$0x12C10] =	vst v3  }
0x5a: {  	s11 =	sadd.s32 s2, s10;
	[tilespmem:s9+$0x12C20] =	vst v0  }
0x5b: {  	[hbm4b:s11+s4] =	stream.linear.scatter [tilespmem:s29], [sflag:$0x5], $0x3200, $0x38;
	[tilespmem:$0x19000] =	vst v63  }
0x5c: {  	s10 =	sadd.s32 $0x320, s6  }
0x5d: {  	[tilespmem:s18], [sflag:$0x2] =	stream.indirect.gather [hbm4b:s5+s13], $0x40, s10, s13, $0xb8;
	[tilespmem:$0x19000] =	vst v63  }
0x5e: {  	s11 =	sadd.s32 $0x3A0, s6  }
0x5f: {  	[tilespmem:s20], [sflag:$0x2] =	stream.indirect.gather [hbm4b:s5+s15], $0x40, s11, s15, $0xb8;
	[tilespmem:$0x19000] =	vst v63  }
0x60: {  	_ =	swait.ge [sflag:s30], $0x2000  }
0x61: {  	[sflag:s30] =	ssyncset.done $0x0  }
0x62: {  	[sflag:s30] =	ssyncadd.s32 $0xFFFFE000  }
0x63: {  	_ =	swait.ge [sflag:s30], $0x1200  }
0x64: {  	[sflag:s30] =	ssyncset.done $0x0  }
0x65: {  	s9 =	simm.s32 @!p0 $0x6;
	[sflag:s30] =	ssyncadd.s32 $0xFFFFEE00  }
0x66: {  	_ =	swait.ge @!p0 [sflag:s9], $0x3200  }
0x67: {  	[sflag:s9] =	ssyncset.done @!p0 $0x0  }
0x68: {  	[sflag:s9] =	ssyncadd.s32 @!p0 $0xFFFFCE00;
	s9 =	simm.s32 $0x0  }
0x69: {  	v1 =	vld [tilespmem:s9+$0xC830]  }
0x6a: {  	v2 =	vld [tilespmem:s9+$0xC800]  }
0x6b: {  	v3 =	vld [tilespmem:s9+$0xC810]  }
0x6c: {  	v0 =	vld [tilespmem:s9+$0xC820]  }
0x6d: {  	s10 =	simm.s32 $0x100  }
.LBB2_7:
0x6e: {  	s11 =	sshra.s32 s10, $0x2;
	p0 =	sne.s32 s10, $0xC700;
	s10 =	sadd.s32 $0x100, s10;
	v4 =	vmul.f32 $8.000000000e+00, v1  }
.Ltmp2:
0x6f: {  	v1 =	vld [tilespmem:s11+$0xC830];
	v5 =	vmul.f32 $8.000000000e+00, v2;
	(pc) =	sbr.rel @p0 .LBB2_7-.Ltmp2, $4  }
0x70: {  	v2 =	vld [tilespmem:s11+$0xC800];
	v6 =	vmul.f32 $8.000000000e+00, v3;
	[tilespmem:s9+$0x15E30] =	vst v4  }
0x71: {  	v3 =	vld [tilespmem:s11+$0xC810];
	[tilespmem:s9+$0x15E00] =	vst v5;
	v4 =	vmul.f32 $8.000000000e+00, v0  }
0x72: {  	v0 =	vld [tilespmem:s11+$0xC820];
	[tilespmem:s9+$0x15E10] =	vst v6  }
0x73: {  	[tilespmem:s9+$0x15E20] =	vst v4;
	s9 =	smov.u32 s11  }
0x74: {  	v1 =	vmul.f32 $8.000000000e+00, v1  }
0x75: {  	p0 =	seq.s32 s21, $0x29;
	v2 =	vmul.f32 $8.000000000e+00, v2  }
.Ltmp3:
0x76: {  	s10 =	sadd.s32 s23, s8;
	v3 =	vmul.f32 $8.000000000e+00, v3;
	[tilespmem:s9+$0x15E30] =	vst v1;
	(pc) =	sbr.rel @p0 .LBB2_10-.Ltmp3, $4  }
0x77: {  	s10 =	smul.u32 $0x640, s10;
	[tilespmem:s9+$0x15E00] =	vst v2;
	v0 =	vmul.f32 $8.000000000e+00, v0  }
0x78: {  	[tilespmem:s9+$0x15E10] =	vst v3  }
0x79: {  	s23 =	sadd.s32 s2, s10;
	[tilespmem:s9+$0x15E20] =	vst v0  }
0x7a: {  	[hbm4b:s23+s4] =	stream.linear.scatter [tilespmem:s31], [sflag:$0x6], $0x3200, $0x38;
	[tilespmem:$0x19000] =	vst v63  }
.Ltmp4:
0x7b: {  	(pc) =	sbr.rel .LBB2_2-.Ltmp4, $4  }
0x7c: {  	s9 =	sadd.s32 $0x3E8, s6  }
0x7d: {  	[tilespmem:s22], [sflag:$0x3] =	stream.indirect.gather [hbm4b:s5+s13], $0x40, s9, s13, $0xb8;
	[tilespmem:$0x19000] =	vst v63  }
0x7e: {  	s23 =	sadd.s32 $0x468, s6;
	s21 =	sadd.s32 $0x1, s21  }
0x7f: {  	[tilespmem:s24], [sflag:$0x3] =	stream.indirect.gather [hbm4b:s5+s15], $0x40, s23, s15, $0xb8;
	[tilespmem:$0x19000] =	vst v63  }
.LBB2_10:
0x80: {  	_ =	swait.ge [sflag:s25], $0x2000  }
0x81: {  	[sflag:s25] =	ssyncset.done $0x0  }
0x82: {  	[sflag:s25] =	ssyncadd.s32 $0xFFFFE000  }
0x83: {  	_ =	swait.ge [sflag:s25], $0x1200  }
0x84: {  	[sflag:s25] =	ssyncset.done $0x0  }
0x85: {  	[sflag:s25] =	ssyncadd.s32 $0xFFFFEE00  }
0x86: {  	_ =	swait.ge [sflag:s1], $0x3200  }
0x87: {  	[sflag:s1] =	ssyncset.done $0x0  }
0x88: {  	s6 =	simm.s32 $0x0;
	[sflag:s1] =	ssyncadd.s32 $0xFFFFCE00  }
0x89: {  	v1 =	vld [tilespmem:s6+$0x6430]  }
0x8a: {  	v2 =	vld [tilespmem:s6+$0x6400]  }
0x8b: {  	v3 =	vld [tilespmem:s6+$0x6410]  }
0x8c: {  	v0 =	vld [tilespmem:s6+$0x6420]  }
0x8d: {  	s9 =	simm.s32 $0x100  }
.LBB2_11:
0x8e: {  	s10 =	sshra.s32 s9, $0x2;
	p0 =	sne.s32 s9, $0xC700;
	s9 =	sadd.s32 $0x100, s9;
	v4 =	vmul.f32 $8.000000000e+00, v1  }
.Ltmp5:
0x8f: {  	v1 =	vld [tilespmem:s10+$0x6430];
	v5 =	vmul.f32 $8.000000000e+00, v2;
	(pc) =	sbr.rel @p0 .LBB2_11-.Ltmp5, $4  }
0x90: {  	v2 =	vld [tilespmem:s10+$0x6400];
	v6 =	vmul.f32 $8.000000000e+00, v3;
	[tilespmem:s6+$0xFA30] =	vst v4  }
0x91: {  	v3 =	vld [tilespmem:s10+$0x6410];
	[tilespmem:s6+$0xFA00] =	vst v5;
	v4 =	vmul.f32 $8.000000000e+00, v0  }
0x92: {  	v0 =	vld [tilespmem:s10+$0x6420];
	[tilespmem:s6+$0xFA10] =	vst v6  }
0x93: {  	[tilespmem:s6+$0xFA20] =	vst v4;
	s6 =	smov.u32 s10  }
0x94: {  	v1 =	vmul.f32 $8.000000000e+00, v1  }
0x95: {  	v2 =	vmul.f32 $8.000000000e+00, v2  }
0x96: {  	v3 =	vmul.f32 $8.000000000e+00, v3;
	[tilespmem:s6+$0xFA30] =	vst v1  }
0x97: {  	[tilespmem:s6+$0xFA00] =	vst v2;
	v0 =	vmul.f32 $8.000000000e+00, v0  }
0x98: {  	[tilespmem:s6+$0xFA10] =	vst v3  }
0x99: {  	s23 =	simm.s32 $0x0;
	s9 =	rddreg [dreg:$0x4];
	[tilespmem:s6+$0xFA20] =	vst v0  }
0x9a: {  	[hbm4b:s9+s23] =	stream.linear.scatter [tilespmem:s26], [sflag:$0x4], $0x3200, $0x38;
	[tilespmem:$0x19000] =	vst v63  }
0x9b: {  	_ =	swait.ge [sflag:s28], $0x2000  }
0x9c: {  	[sflag:s28] =	ssyncset.done $0x0  }
0x9d: {  	[sflag:s28] =	ssyncadd.s32 $0xFFFFE000  }
0x9e: {  	_ =	swait.ge [sflag:s28], $0x1200  }
0x9f: {  	[sflag:s28] =	ssyncset.done $0x0  }
0xa0: {  	[sflag:s28] =	ssyncadd.s32 $0xFFFFEE00  }
0xa1: {  	_ =	swait.ge [sflag:s0], $0x3200  }
0xa2: {  	[sflag:s0] =	ssyncset.done $0x0  }
0xa3: {  	s6 =	simm.s32 $0x0;
	[sflag:s0] =	ssyncadd.s32 $0xFFFFCE00  }
0xa4: {  	v1 =	vld [tilespmem:s6+$0x9630]  }
0xa5: {  	v2 =	vld [tilespmem:s6+$0x9600]  }
0xa6: {  	v3 =	vld [tilespmem:s6+$0x9610]  }
0xa7: {  	v0 =	vld [tilespmem:s6+$0x9620]  }
0xa8: {  	s9 =	simm.s32 $0x100  }
.LBB2_13:
0xa9: {  	s10 =	sshra.s32 s9, $0x2;
	p0 =	sne.s32 s9, $0xC700;
	s9 =	sadd.s32 $0x100, s9;
	v4 =	vmul.f32 $8.000000000e+00, v1  }
.Ltmp6:
0xaa: {  	v1 =	vld [tilespmem:s10+$0x9630];
	v5 =	vmul.f32 $8.000000000e+00, v2;
	(pc) =	sbr.rel @p0 .LBB2_13-.Ltmp6, $4  }
0xab: {  	v2 =	vld [tilespmem:s10+$0x9600];
	v6 =	vmul.f32 $8.000000000e+00, v3;
	[tilespmem:s6+$0x12C30] =	vst v4  }
0xac: {  	v3 =	vld [tilespmem:s10+$0x9610];
	[tilespmem:s6+$0x12C00] =	vst v5;
	v4 =	vmul.f32 $8.000000000e+00, v0  }
0xad: {  	v0 =	vld [tilespmem:s10+$0x9620];
	[tilespmem:s6+$0x12C10] =	vst v6  }
0xae: {  	[tilespmem:s6+$0x12C20] =	vst v4;
	s6 =	smov.u32 s10  }
0xaf: {  	v1 =	vmul.f32 $8.000000000e+00, v1  }
0xb0: {  	v2 =	vmul.f32 $8.000000000e+00, v2  }
0xb1: {  	v3 =	vmul.f32 $8.000000000e+00, v3;
	[tilespmem:s6+$0x12C30] =	vst v1  }
0xb2: {  	[tilespmem:s6+$0x12C00] =	vst v2;
	v0 =	vmul.f32 $8.000000000e+00, v0  }
0xb3: {  	[tilespmem:s6+$0x12C10] =	vst v3  }
0xb4: {  	s21 =	rddreg [dreg:$0x5];
	[tilespmem:s6+$0x12C20] =	vst v0  }
0xb5: {  	[hbm4b:s21+s4] =	stream.linear.scatter [tilespmem:s29], [sflag:$0x5], $0x3200, $0x38;
	[tilespmem:$0x19000] =	vst v63  }
0xb6: {  	_ =	swait.ge [sflag:s17], $0x3200  }
0xb7: {  	[sflag:s17] =	ssyncset.done $0x0  }
0xb8: {  	[sflag:s17] =	ssyncadd.s32 $0xFFFFCE00  }
0xb9: {  	_ =	swait.ge [sflag:s1], $0x3200  }
0xba: {  	[sflag:s1] =	ssyncset.done $0x0  }
0xbb: {  	[sflag:s1] =	ssyncadd.s32 $0xFFFFCE00  }
0xbc: {  	_ =	swait.ge [sflag:s0], $0x3200  }
0xbd: {  	s19 =	sadd.s32 $0x1, s19;
	s23 =	rddreg [dreg:$0x6]  }
0xbe: {  	p0 =	sne.s32 s19, s23  }
.Ltmp7:
0xbf: {  	_ = 	snop;
	(pc) =	sbr.rel @p0 .LBB2_1-.Ltmp7, $3  }
0xc0: {  	_ =	sdelay $0x1  }
0xc1: {  	[sflag:s0] =	ssyncset.done $0x0  }
0xc2: {  	[sflag:s0] =	ssyncadd.s32 $0xFFFFCE00  }
0xc3: {  	_ =	sfence.sel $0x180000  }
0xc4: {  	[bflag:$0x0] =	sbarrier.arrive $0xFFFF  }
0xc5: {  	_ =	strace $0x90000047  }
0xc6: {  	s0 =	stileid.u32;
	[bflag:$0x2] =	sbarrier.arrive $0xFFFF  }
0xc7: {  	p0 =	sne.s32 s0, $0x0;
	s0 =	rddreg [dreg:$0x2]  }
0xc8: {  	s0 =	sadd.s32 @!p0 $0x100000, s0  }
0xc9: {  	[sflag:s0] =	ssyncadd.tile.s32 @!p0 $0x1;
	_ =	shalt  }
.Lfunc_end2:
_tile_overlayer_lowered:
.L_overlay_start_2:
0xca: {  	(tag) =	ssettag $0x2  }
0xcb: {  	s0 =	rddreg [dreg:$0x0];
	s2 =	stileid.u32  }
0xcc: {  	s1 =	rddreg [dreg:$0x1];
	p0 =	sne.s32 s2, $0x0  }
0xcd: {  	s3 =	rddreg [dreg:$0x2];
	[bflag:$0x3] =	sbarrier.arrive $0xFFFF;
	s2 =	simm.s32 @!p0 $0x1C07  }
0xce: {  	[timem:s3], [sflag:s2] =	dma.local @!p0 [hbm:s0], s1  }
0xcf: {  	s0 =	simm.s32 @!p0 $0x7  }
0xd0: {  	_ =	swait.ge @!p0 [sflag:s0], s1  }
0xd1: {  	s1 =	ssub.s32 @!p0 $0x0, s1;
	[sflag:s0] =	ssyncset.done @!p0 $0x0  }
0xd2: {  	[sflag:s0] =	ssyncadd.s32 @!p0 s1  }
0xd3: {  	[bflag:$0x3] =	sbarrier.arrive $0xFFFF  }
0xd4: {  	_ =	shalt  }

// kernel: sparse-core-data-format-call.cloned.1.call-start
scs
called_computation_lowered:
.L_overlay_start_0:
0x0: {  	s2 =	sld [smem:$0x3FD9]  }
0x1: {  	s3 =	sld [smem:$0x3FFE];
	_ =	sdelay $0x1  }
0x2: {  	s1 =	srdreg.scid  }
0x3: {  	s0 =	sand.u32 $0x1, s1  }
0x4: {  	s18 =	sshll.u32 s0, $0xA;
	s2 =	sadd.s32 s3, s2  }
0x5: {  	s2 =	sadd.s32 s2, s18  }
0x6: {  	[smem:$0x3FC6] =	sst s2  }
0x7: {  	_ = 	snop  }
0x8: {  	s2 =	sld [smem:$0x3FD0];
	(tm) =	ssettm $0x1  }
0x9: {  	s19 =	sld [smem:$0x3FFB];
	_ =	sdelay $0x3  }
0xa: {  	_ =	strace s19  }
0xb: {  	s3 =	sld [smem:$0x3FFC];
	_ =	sdelay $0x3  }
0xc: {  	_ =	strace s3  }
0xd: {  	s3 =	sld [smem:$0x3FFD];
	_ =	sdelay $0x3  }
0xe: {  	_ =	strace s3  }
0xf: {  	_ =	strace $0x8FFFFFFF  }
0x10: {  	s20 =	sld [smem:$0x3FDB];
	_ =	sdelay $0x1  }
0x11: {  	s4 =	simm.s32 $_scs_section_size  }
0x12: {  	s5 =	simm.s32 $_size__tile_overlayer_lowered;
	s6 =	simm.s32 $_tile_overlayer_lowered  }
0x13: {  	s23 =	simm.s32 $0x1BFF;
	s22 =	sshll.u32 s6, $0x1;
	s3 =	sadd.s32 s4, s20  }
0x14: {  	s7 =	simm.s32 $0x0;
	s21 =	sshll.u32 s5, $0x1;
	s5 =	sadd.s32 s22, s3  }
0x15: {  	[timem:s7], [sflag:s23] =	dma.local [hbm:s5], s21  }
0x16: {  	_ =	swait.ge [sflag:s23], s21  }
0x17: {  	s4 =	ssub.s32 $0x0, s21;
	[sflag:s23] =	ssyncset.done $0x0  }
0x18: {  	[sflag:s23] =	ssyncadd.s32 s4;
	_ =	sdelay $0x1  }
0x19: {  	s24 =	simm.s32 $0x1B8B  }
0x1a: {  	_ =	swait.ge [sflag:s24], $0x1  }
0x1b: {  	[sflag:s24] =	ssyncset.done $0x0  }
0x1c: {  	s26 =	simm.s32 $0x1B8E;
	s25 =	sld [smem:$0x3FFE];
	[sflag:s24] =	ssyncadd.s32 $0xFFFFFFFF  }
0x1d: {  	s27 =	simm.s32 $execute0_lowered;
	[smem:$0x3FD2] =	sst s26  }
0x1e: {  	s5 =	sshll.u32 s27, $0x1;
	_ =	strace $0x80000049;
	[dreg:$0x1] =	wrdreg $0xFFFFFFFF  }
0x1f: {  	s28 =	simm.s32 $_size_execute0_lowered;
	s3 =	sadd.s32 s3, s5;
	[dreg:$0x0] =	wrdreg $0x0  }
0x20: {  	s5 =	sshll.u32 s28, $0x1;
	[dreg:$0x2] =	wrdreg s3  }
0x21: {  	[dreg:$0x3] =	wrdreg s5  }
0x22: {  	[dreg:$0x4] =	wrdreg $0xC0  }
0x23: {  	_ =	task [dreg:s7], $0x5FFFF  }
0x24: {  	[dreg:$0x1] =	wrdreg $0xFFFFFFFF  }
0x25: {  	[dreg:$0x0] =	wrdreg $0x60  }
0x26: {  	[dreg:$0x2] =	wrdreg s25  }
0x27: {  	[dreg:$0x3] =	wrdreg s2  }
0x28: {  	[dreg:$0x4] =	wrdreg $0x9  }
0x29: {  	_ =	task.clear_ibuf [dreg:s7], $0x5FFFF;
	_ =	strace $0x90000049  }
0x2a: {  	s29 =	simm.s32 $0x9;
	_ =	strace $0x8000004B  }
0x2b: {  	_ =	swait.ge [sflag:s29], $0x1  }
0x2c: {  	[sflag:s29] =	ssyncadd.s32 $0xFFFFFFFF  }
0x2d: {  	_ =	strace $0x9000004B  }
0x2e: {  	_ =	sfence  }
0x2f: {  	s30 =	sld [smem:$0x0];
	_ =	sdelay $0x2  }
0x30: {  	s31 =	sshll.u32 s1, $0xD;
	s1 =	sshrl.u32 s1, $0x2  }
0x31: {  	s3 =	sand.u32 $0x4000, s31;
	s1 =	sadd.s32 s1, s30  }
0x32: {  	s0 =	sor.u32 s3, s0;
	s1 =	sshll.u32 s1, $0x11  }
0x33: {  	s0 =	sor.u32 s1, s0  }
0x34: {  	s0 =	sadd.s32 $0x8F2B, s0  }
0x35: {  	[sflag:s0] =	ssyncadd.remote.s32 $0x1  }
0x36: {  	_ =	sfence.sel $0xFFFF  }
0x37: {  	[dreg:$0x0] =	wrdreg $0xFFFFFFFF;
	(pc) =	sbr.abs _section_cstart, $3  }
0x38: {  	[dreg:$0x1] =	wrdreg $0xFFFFFFFF  }
0x39: {  	_ =	task.clear_ibuf [dreg:s7], $0x2FFFF;
	_ =	strace $0x9FFFFFFF  }
0x3a: {  	(tm) =	ssettm $0x7FFFFFFF  }
0x3b: {  	_ =	shalt  }
tec
execute0_lowered:
.L_overlay_start_1:
0x0: {  	(tag) =	ssettag $0x1  }
0x1: {  	s0 =	srdreg.scid  }
0x2: {  	s1 =	sshll.u32 s0, $0x4  }
0x3: {  	s0 =	stileid.u32;
	s1 =	sand.u32 $0x10, s1  }
0x4: {  	s1 =	sor.u32 s0, s1  }
0x5: {  	s6 =	rddreg [dreg:$0x0];
	s4 =	simm.s32 $0x1;
	s2 =	sshll.u32 s1, $0x7  }
0x6: {  	s7 =	simm.s32 $0x2;
	s12 =	simm.s32 $0x0;
	s1 =	ssub.s32 $0x1000, s2  }
0x7: {  	s8 =	simm.s32 $0x8000;
	s13 =	simm.s32 $0x0;
	s3 =	sand.u32 $0xF80, s1  }
0x8: {  	s9 =	simm.s32 $0x0;
	s5 =	sshrl.u32 s1, $0xC;
	p0 =	sne.s32 s3, $0x0  }
.Ltmp0:
0x9: {  	s1 =	rddreg [dreg:$0x2];
	s4 =	simm.s32 @!p0 $0x0;
	(pc) =	sbr.rel .LBB1_1-.Ltmp0, $4  }
0xa: {  	s11 =	simm.s32 $0x0;
	s3 =	rddreg [dreg:$0x1];
	s5 =	sadd.s32 s4, s5  }
0xb: {  	_ =	strace $0x8000004A;
	s4 =	simm.s32 $0x1;
	s5 =	smul.u32 $0xC8, s5  }
0xc: {  	s6 =	sadd.s32 $0xA00, s6;
	s10 =	smov.u32 s2;
	[sflag:s4] =	ssyncpa.u1 $0x0  }
0xd: {  	p0 =	por $0x0, $0x0;
	[sflag:s7] =	ssyncpa.u1 $0x0;
	s7 =	sor.u32 $0x1, s5  }
.LBB1_4:
0xe: {  	s16 =	sshll.u32 s13, $0x3;
	s17 =	sand.u32 $0x78, s13  }
0xf: {  	s30 =	sand.u32 $0x7E00, s13;
	s12 =	sshll.u32 s12, $0xF;
	s16 =	sand.u32 $0xC00, s16  }
0x10: {  	[tilespmem:s15+$0x810 ss:$0x81] =	vst.msk $0xffff, v2;
	s31 =	sand.u32 $0x7, s13;
	s16 =	sor.u32 s17, s16;
	s17 =	sadd.s32 s3, s30  }
0x11: {  	[tilespmem:s15+$0x1020 ss:$0x81] =	vst.msk $0xffff, v0;
	s13 =	sshll.u32 s31, $0x12;
	s12 =	sadd.s32 s12, s17;
	s16 =	sshrl.u32 s16, $0x3  }
0x12: {  	[tilespmem:s15+$0x0 ss:$0x81] =	vst.msk $0xffff, v1;
	s13 =	sor.u32 $0x400, s13;
	s12 =	sadd.s32 s16, s12  }
0x13: {  	[hbm4b:s12+s13] =	stream.strided.scatter [tilespmem:s14], [sflag:$0x2], $0x2000, s8, s13, $0x20;
	[tilespmem:$0x8080] =	vst v63  }
.LBB1_5:
0x14: {  	s14 =	sadd.s32 $0x1, s9  }
0x15: {  	s12 =	sadd.s32 $0x1000, s10;
	s16 =	smov.u32 s10;
	p2 =	sgt.s32 s14, $0xC7  }
0x16: {  	s16 =	smov.u32 @p2 s12  }
0x17: {  	s14 =	simm.s32 @p2 $0x0;
	p2 =	sgt.s32 s16, $0xFFF  }
0x18: {  	s16 =	smov.u32 @p2 s2;
	p2 =	sne.s32 s11, s7  }
.Ltmp1:
0x19: {  	p1 =	slt.u32 s11, $0x2;
	(pc) =	sbr.rel @!p2 .LBB1_6-.Ltmp1, $4  }
0x1a: {  	s15 =	simm.s32 @!p1 $0x2  }
0x1b: {  	s13 =	smov.u32 s10;
	p0 =	por !p0, !p0;
	_ =	swait.ge @!p1 [sflag:s15], $0x2000  }
0x1c: {  	s12 =	smov.u32 s9;
	[sflag:s15] =	ssyncset.done @!p1 $0x0;
	s9 =	smov.u32 s14  }
0x1d: {  	s11 =	sadd.s32 $0x1, s11;
	[sflag:s15] =	ssyncadd.s32 @!p1 $0xFFFFE000;
	s10 =	smov.u32 s16  }
.LBB1_1:
0x1e: {  	p1 =	sge.u32 s11, s5  }
0x1f: {  	s14 =	sand.u32 @!p1 $0x1FFFFFF, s9  }
0x20: {  	s15 =	smulhi.u32 @!p1 $0x147AE15, s14;
	_ =	sdelay $0x1  }
0x21: {  	s15 =	smul.u32 @!p1 $0xC8, s15  }
0x22: {  	s16 =	sxor.u32 @!p1 $0xFFFFFFFF, s11;
	s17 =	smul.u32 @!p1 $0xC80, s10  }
0x23: {  	s31 =	sadd.s32 $0xFFFFFFFF, s11;
	s16 =	sshll.u32 @!p1 s16, $0xD;
	s14 =	ssub.s32 @!p1 s14, s15  }
0x24: {  	s15 =	sand.u32 @!p1 $0x2000, s16;
	s16 =	sadd.s32 @!p1 s6, s17;
	s14 =	sshll.u32 @!p1 s14, $0x4  }
0x25: {  	s17 =	simm.s32 @!p1 $0x6400;
	s14 =	sadd.s32 @!p1 s14, s16;
	s16 =	simm.s32 @!p1 $0x40  }
0x26: {  	[tilespmem:s15], [sflag:$0x1] =	stream.strided.gather @!p1 [hbm4b:s14+s16], $0x2000, s17, s16, $0x38;
	[tilespmem:$0x8080] =	vst v63  }
0x27: {  	p1 =	sge.u32 s31, s5  }
.Ltmp2:
0x28: {  	_ = 	snop;
	(pc) =	sbr.rel @p1 .LBB1_5-.Ltmp2, $1  }
0x29: {  	_ =	sdelay $0x3  }
0x2a: {  	s14 =	simm.s32 $0x1  }
0x2b: {  	_ =	swait.ge [sflag:s4], $0x2000;
	s14 =	simm.s32 @!p0 $0x0  }
0x2c: {  	[sflag:s4] =	ssyncset.done $0x0;
	s15 =	sshll.u32 s14, $0xD  }
0x2d: {  	[sflag:s4] =	ssyncadd.s32 $0xFFFFE000;
	s18 =	sor.u32 $0x20, s15  }
0x2e: {  	s14 =	smul.u32 $0x8100, s14;
	v3 =	vld [tilespmem:s18+$0x10]  }
0x2f: {  	s30 =	sand.u32 $0x1, s11;
	v2 =	vld [tilespmem:s18+$0xFFFFFFF0]  }
0x30: {  	s15 =	smul.u32 $0x8100, s30;
	s14 =	sshrl.u32 s14, $0x2;
	v0 =	vld [tilespmem:s18+$0x0]  }
0x31: {  	v1 =	vld [tilespmem:s18+$0xFFFFFFE0];
	s16 =	sor.u32 $0x4000, s14  }
0x32: {  	s31 =	sshrl.u32 s15, $0x2;
	s15 =	sadd.s32 $0x0, s16  }
0x33: {  	s17 =	simm.s32 $0x4;
	s18 =	sadd.s32 $0x40, s18;
	s14 =	sor.u32 $0x4000, s31;
	[tilespmem:s15+$0x1830 ss:$0x81] =	vst.msk $0xffff, v3  }
.LBB1_3:
0x34: {  	v3 =	vld [tilespmem:s18+$0x10];
	p1 =	sne.s32 s17, $0x1FC;
	[tilespmem:s15+$0x810 ss:$0x81] =	vst.msk $0xffff, v2;
	s19 =	smov.u32 s17;
	s17 =	sadd.s32 $0x4, s17  }
.Ltmp3:
0x35: {  	v2 =	vld [tilespmem:s18+$0xFFFFFFF0];
	[tilespmem:s15+$0x1020 ss:$0x81] =	vst.msk $0xffff, v0;
	(pc) =	sbr.rel @p1 .LBB1_3-.Ltmp3, $4  }
0x36: {  	v0 =	vld [tilespmem:s18+$0x0];
	[tilespmem:s15+$0x0 ss:$0x81] =	vst.msk $0xffff, v1  }
0x37: {  	s15 =	sshra.s32 s19, $0x2;
	v1 =	vld [tilespmem:s18+$0xFFFFFFE0]  }
0x38: {  	s15 =	sadd.s32 s15, s16  }
0x39: {  	s18 =	sadd.s32 $0x40, s18;
	[tilespmem:s15+$0x1830 ss:$0x81] =	vst.msk $0xffff, v3  }
.Ltmp4:
0x3a: {  	_ = 	snop;
	(pc) =	sbr.rel .LBB1_4-.Ltmp4, $1  }
0x3b: {  	_ =	sdelay $0x3  }
.LBB1_6:
0x3c: {  	_ =	sfence.sel $0x180000  }
0x3d: {  	s2 =	simm.s32 $0x1;
	[bflag:$0x0] =	sbarrier.arrive $0xFFFF  }
0x3e: {  	s31 =	simm.s32 $0x2;
	[sflag:s2] =	ssyncpa.u1 $0x1  }
0x3f: {  	[sflag:s31] =	ssyncpa.u1 $0x1  }
0x40: {  	p0 =	sne.s32 s0, $0x0;
	_ =	strace $0x9000004A  }
0x41: {  	s0 =	sadd.s32 @!p0 $0x100000, s1;
	[bflag:$0x2] =	sbarrier.arrive $0xFFFF  }
0x42: {  	[sflag:s0] =	ssyncadd.tile.s32 @!p0 $0x1;
	_ =	shalt  }
.Lfunc_end1:
_tile_overlayer_lowered:
.L_overlay_start_2:
0x43: {  	(tag) =	ssettag $0x2  }
0x44: {  	s0 =	rddreg [dreg:$0x0];
	s2 =	stileid.u32  }
0x45: {  	s1 =	rddreg [dreg:$0x1];
	p0 =	sne.s32 s2, $0x0  }
0x46: {  	s3 =	rddreg [dreg:$0x2];
	[bflag:$0x3] =	sbarrier.arrive $0xFFFF;
	s2 =	simm.s32 @!p0 $0x1C01  }
0x47: {  	[timem:s3], [sflag:s2] =	dma.local @!p0 [hbm:s0], s1  }
0x48: {  	s0 =	simm.s32 @!p0 $0x1  }
0x49: {  	_ =	swait.ge @!p0 [sflag:s0], s1  }
0x4a: {  	s1 =	ssub.s32 @!p0 $0x0, s1;
	[sflag:s0] =	ssyncset.done @!p0 $0x0  }
0x4b: {  	[sflag:s0] =	ssyncadd.s32 @!p0 s1  }
0x4c: {  	[bflag:$0x3] =	sbarrier.arrive $0xFFFF  }
0x4d: {  	_ =	shalt  }

</sc_bundles>
